<compile_context>
chip_gen: v7x
topology: tpu7x:2x2x1
jax: 0.10.2.dev20260603
libtpu: 0.0.44.dev20260713+nightly
codegen_flags: <defaults>
</compile_context>

<pallas_src>
import functools

import jax
import jax.numpy as jnp
from jax import lax
from jax.experimental import pallas as pl
from jax.experimental.pallas import tpu as pltpu
from jax.experimental.pallas import tpu_sc as plsc

B = 1024
D = 64
M = 100000
TEMP = 0.05
INV_TEMP = 1.0 / TEMP
LOG2E = 1.4426950408889634
SHIFT2 = INV_TEMP * LOG2E

TM = 8192
K = (M + TM - 1) // TM
LAST = M - (K - 1) * TM
MPAD = K * TM

_NC = 2
_NS = 16
_NW = _NC * _NS
_BPW = B // _NW


def _gather_rows(table, idx):
  mesh = plsc.VectorSubcoreMesh(core_axis_name="c", subcore_axis_name="s")

  @functools.partial(
      pl.kernel,
      mesh=mesh,
      out_type=jax.ShapeDtypeStruct((B, 128), jnp.float32),
      scratch_types=[
          pltpu.VMEM((_BPW,), jnp.int32),
          pltpu.VMEM((_BPW, 128), jnp.float32),
          pltpu.SemaphoreType.DMA,
      ],
  )
  def k(table_hbm, idx_hbm, out_hbm, idx_v, rows_v, sem):
    wid = lax.axis_index("s") * _NC + lax.axis_index("c")
    base = wid * _BPW
    pltpu.sync_copy(idx_hbm.at[pl.ds(base, _BPW)], idx_v)
    pltpu.async_copy(table_hbm.at[idx_v], rows_v, sem).wait()
    pltpu.sync_copy(rows_v, out_hbm.at[pl.ds(base, _BPW)])

  return k(table, idx)


def _stream_body(x_ref, f_ref, fpad_ref, sacc_ref, xs_out_ref,
                 xs_ref, acc_ref):
  i = pl.program_id(0)

  @pl.when(i == 0)
  def _init():
    x = x_ref[...]
    nrm = jnp.sqrt(jnp.sum(x * x, axis=1, keepdims=True))
    xs = x * ((INV_TEMP * LOG2E) / jnp.maximum(nrm, 1e-12))
    xs_ref[...] = xs
    acc_ref[...] = jnp.zeros_like(acc_ref)

  fv = f_ref[...]
  fpad_ref[:, :D] = fv

  CW = 1024
  xs = xs_ref[...]

  def _tree(vals):
    while len(vals) > 1:
      vals = [vals[j] + vals[j + 1] for j in range(0, len(vals) - 1, 2)] + (
          [vals[-1]] if len(vals) % 2 else [])
    return vals[0]

  def _exp_chunk(sub_logits, width, global_lo, valid):
    chunks = []
    for c in range(width // 128):
      v = jnp.exp2(sub_logits[:, c * 128:(c + 1) * 128] - SHIFT2)
      if global_lo + (c + 1) * 128 > valid:
        col = lax.broadcasted_iota(jnp.int32, (B, 128), 1) + (global_lo + c * 128)
        v = jnp.where(col < valid, v, 0.0)
      chunks.append(v)
    return _tree(chunks)

  def _tile_sum(valid):
    parts = []
    lo = 0
    while lo < valid:
      w = min(((valid - lo + 127) // 128) * 128, CW)
      sub = lax.dot_general(
          xs, fv[lo:lo + w, :], (((1,), (1,)), ((), ())),
          preferred_element_type=jnp.float32)
      parts.append(_exp_chunk(sub, w, lo, valid))
      lo += w
    acc_ref[...] = acc_ref[...] + _tree(parts)

  @pl.when(i < K - 1)
  def _full_tile():
    _tile_sum(TM)

  @pl.when(i == K - 1)
  def _last_tile():
    _tile_sum(LAST)
    sacc_ref[...] = acc_ref[...]
    xs_out_ref[...] = xs_ref[...]


def _stream_call(inputs, features, interpret=False):
  return pl.pallas_call(
      _stream_body,
      grid=(K,),
      in_specs=[
          pl.BlockSpec((B, D), lambda i: (0, 0)),
          pl.BlockSpec((TM, D), lambda i: (i, 0)),
      ],
      out_specs=[
          pl.BlockSpec((TM, 128), lambda i: (i, 0)),
          pl.BlockSpec((B, 128), lambda i: (0, 0)),
          pl.BlockSpec((B, D), lambda i: (0, 0)),
      ],
      out_shape=[
          jax.ShapeDtypeStruct((MPAD, 128), jnp.float32),
          jax.ShapeDtypeStruct((B, 128), jnp.float32),
          jax.ShapeDtypeStruct((B, D), jnp.float32),
      ],
      scratch_shapes=[
          pltpu.VMEM((B, D), jnp.float32),
          pltpu.VMEM((B, 128), jnp.float32),
      ],
      compiler_params=pltpu.CompilerParams(
          dimension_semantics=("arbitrary",)),
      interpret=interpret,
  )(inputs, features)


def _epilogue_body(sacc_ref, xs_ref, g_ref, out_ref):
  s_row = jnp.sum(sacc_ref[...], axis=1, keepdims=True)
  log_z = jnp.log(s_row) + INV_TEMP
  tgt = jnp.sum(xs_ref[...] * g_ref[:, :D], axis=1, keepdims=True) * (1.0 / LOG2E)
  out_ref[0, 0] = jnp.sum(log_z - tgt) * (1.0 / B)


def _epilogue_call(sacc, xs, g, interpret=False):
  out = pl.pallas_call(
      _epilogue_body,
      out_specs=pl.BlockSpec(memory_space=pltpu.SMEM),
      out_shape=jax.ShapeDtypeStruct((1, 1), jnp.float32),
      interpret=interpret,
  )(sacc, xs, g)
  return out[0, 0]


def kernel(inputs, targets, features):
  t = targets.astype(jnp.int32)
  fpad, sacc, xs = _stream_call(inputs, features)
  g = _gather_rows(fpad, t)
  return _epilogue_call(sacc, xs, g)

# --- scband reference (transcript-rebuilt; emitter-appended) ---
"""Pipeline reference for scband-cluster-memory-amp-dynamic-16234976378942 (READ-ONLY COPY).

The authoritative reference and input builder live on the scoring server;
editing this copy changes nothing except your own understanding.
"""

import jax, jax.numpy as jnp
import numpy as np

B = 1024
D = 64
M = 100000
TEMP = 0.05


def setup_inputs(seed: int = 0) -> dict:
    key = jax.random.key(seed)
    k1, k2, k3 = jax.random.split(key, 3)
    inputs = jax.random.normal(k1, (B, D), dtype=jnp.float32)
    targets = jax.random.randint(k2, (B,), 0, M)
    features = jax.random.normal(k3, (M, D), dtype=jnp.float32)
    # memory bank rows are kept L2-normalized by the update rule
    features = features / jnp.maximum(jnp.linalg.norm(features, axis=1, keepdims=True), 1e-12)
    return {"inputs": inputs, "targets": targets, "features": features}


def reference(inputs, targets, features):
    # F.normalize(inputs, dim=1)
    x = inputs / jnp.maximum(jnp.linalg.norm(inputs, axis=1, keepdims=True), 1e-12)
    # CM_Dynamic_Weighted.forward: inputs.mm(features.t())
    outputs = x @ features.T
    # outputs /= self.temp
    logits = outputs / TEMP
    # F.cross_entropy(logits, targets)
    logZ = jax.nn.logsumexp(logits, axis=1)
    tgt_logit = jnp.take_along_axis(logits, targets[:, None], axis=1)[:, 0]
    loss = jnp.mean(logZ - tgt_logit)
    return loss

if __name__ == "__main__":
    import jax
    _d = setup_inputs()
    print(jax.jit(kernel)(*tuple(_d.values())))

</pallas_src>

<mosaic_0001>
#map = affine_map<(d0, d1) -> (0, 0)>
#map1 = affine_map<(d0, d1) -> (0)>
module attributes {stable_mosaic.version = 14 : i64} {
  func.func @k(%arg0: i32, %arg1: i32, %arg2: memref<106496x128xf32, #tpu.memory_space<hbm>>, %arg3: memref<1024xi32, #tpu.memory_space<hbm>>, %arg4: memref<1024x128xf32, #tpu.memory_space<hbm>>, %arg5: memref<32xi32, #tpu.memory_space<vmem>>, %arg6: memref<32x128xf32, #tpu.memory_space<vmem>>, %arg7: memref<!tpu.dma_semaphore, #tpu.memory_space<semaphore_mem>>) attributes {dimension_semantics = [#tpu.dimension_semantics<core_parallel>, #tpu.dimension_semantics<subcore_parallel>], iteration_bounds = array<i64: 2, 16>, scalar_prefetch = 0 : i64, scratch_operands = 3 : i64, tpu.core_type = #tpu.core_type<sc_vector_subcore>, window_params = [{transform_indices = #map}, {transform_indices = #map1}, {transform_indices = #map}]} {
    %mul3A = arith.constant 2 : i32
    %mul3A_0 = arith.muli %arg1, %mul3A : i32
    %add3A = arith.addi %mul3A_0, %arg0 : i32
    %mul3A_1 = arith.constant 32 : i32
    %mul3A_2 = arith.muli %add3A, %mul3A_1 : i32
    "tpu.region"() ({
      %run_scoped3A = tpu.sem_alloc : memref<!tpu.dma_semaphore, #tpu.memory_space<semaphore_mem>>
      %dma_start3A_7 = tpu.memref_slice %arg3[%mul3A_2] : memref<1024xi32, #tpu.memory_space<hbm>> -> memref<32xi32, #tpu.memory_space<hbm>>
      %dma_start3A_8 = tpu.memref_slice %arg3[%mul3A_2] : memref<1024xi32, #tpu.memory_space<hbm>> -> memref<32xi32, #tpu.memory_space<hbm>>
      tpu.enqueue_dma source(%dma_start3A_8 : memref<32xi32, #tpu.memory_space<hbm>>) target(%arg5 : memref<32xi32, #tpu.memory_space<vmem>>) target_semaphore(%run_scoped3A : memref<!tpu.dma_semaphore, #tpu.memory_space<semaphore_mem>>)
      %dma_wait3A_9 = tpu.memref_slice %arg3[%mul3A_2] : memref<1024xi32, #tpu.memory_space<hbm>> -> memref<32xi32, #tpu.memory_space<hbm>>
      %dma_wait3A_10 = tpu.memref_slice %arg3[%mul3A_2] : memref<1024xi32, #tpu.memory_space<hbm>> -> memref<32xi32, #tpu.memory_space<hbm>>
      tpu.wait_dma2 semaphore(%run_scoped3A : memref<!tpu.dma_semaphore, #tpu.memory_space<semaphore_mem>>) src(%dma_wait3A_10 : memref<32xi32, #tpu.memory_space<hbm>>) dst(%arg5 : memref<32xi32, #tpu.memory_space<vmem>>)
      tpu.yield
    }) : () -> ()
    %dma_start3A = arith.constant 0 : i32
    %dma_start3A_3 = arith.constant 0 : i32
    %dma_start3A_4 = tpu.memref_slice %arg2[%dma_start3A, %dma_start3A_3] : memref<106496x128xf32, #tpu.memory_space<hbm>> -> memref<106496x128xf32, #tpu.memory_space<hbm>>
    tpu.enqueue_indirect_dma source(%dma_start3A_4 : memref<106496x128xf32, #tpu.memory_space<hbm>>) target(%arg6 : memref<32x128xf32, #tpu.memory_space<vmem>>) offsets(%arg5 : memref<32xi32, #tpu.memory_space<vmem>>) semaphore(%arg7 : memref<!tpu.dma_semaphore, #tpu.memory_space<semaphore_mem>>)
    %dma_wait3A = arith.constant 0 : i32
    %dma_wait3A_5 = arith.constant 0 : i32
    %dma_wait3A_6 = tpu.memref_slice %arg2[%dma_wait3A, %dma_wait3A_5] : memref<106496x128xf32, #tpu.memory_space<hbm>> -> memref<106496x128xf32, #tpu.memory_space<hbm>>
    tpu.wait_indirect_dma semaphore(%arg7 : memref<!tpu.dma_semaphore, #tpu.memory_space<semaphore_mem>>) src(%dma_wait3A_6 : memref<106496x128xf32, #tpu.memory_space<hbm>>) dst(%arg6 : memref<32x128xf32, #tpu.memory_space<vmem>>)
    "tpu.region"() ({
      %run_scoped3A = tpu.sem_alloc : memref<!tpu.dma_semaphore, #tpu.memory_space<semaphore_mem>>
      %dma_start3A_7 = arith.constant 0 : i32
      %dma_start3A_8 = tpu.memref_slice %arg4[%mul3A_2, %dma_start3A_7] : memref<1024x128xf32, #tpu.memory_space<hbm>> -> memref<32x128xf32, #tpu.memory_space<hbm>>
      %dma_start3A_9 = arith.constant 0 : i32
      %dma_start3A_10 = tpu.memref_slice %arg4[%mul3A_2, %dma_start3A_9] : memref<1024x128xf32, #tpu.memory_space<hbm>> -> memref<32x128xf32, #tpu.memory_space<hbm>>
      tpu.enqueue_dma source(%arg6 : memref<32x128xf32, #tpu.memory_space<vmem>>) target(%dma_start3A_10 : memref<32x128xf32, #tpu.memory_space<hbm>>) target_semaphore(%run_scoped3A : memref<!tpu.dma_semaphore, #tpu.memory_space<semaphore_mem>>)
      %dma_wait3A_11 = arith.constant 0 : i32
      %dma_wait3A_12 = tpu.memref_slice %arg4[%mul3A_2, %dma_wait3A_11] : memref<1024x128xf32, #tpu.memory_space<hbm>> -> memref<32x128xf32, #tpu.memory_space<hbm>>
      %dma_wait3A_13 = arith.constant 0 : i32
      %dma_wait3A_14 = tpu.memref_slice %arg4[%mul3A_2, %dma_wait3A_13] : memref<1024x128xf32, #tpu.memory_space<hbm>> -> memref<32x128xf32, #tpu.memory_space<hbm>>
      tpu.wait_dma2 semaphore(%run_scoped3A : memref<!tpu.dma_semaphore, #tpu.memory_space<semaphore_mem>>) src(%arg6 : memref<32x128xf32, #tpu.memory_space<vmem>>) dst(%dma_wait3A_14 : memref<32x128xf32, #tpu.memory_space<hbm>>)
      tpu.yield
    }) : () -> ()
    return
  }
}

module attributes {stable_mosaic.version = 14 : i64} {
  func.func @_stream_body(%arg0: i32, %arg1: memref<1024x64xf32, #tpu.memory_space<vmem>>, %arg2: memref<8192x64xf32, #tpu.memory_space<vmem>>, %arg3: memref<8192x128xf32, #tpu.memory_space<vmem>>, %arg4: memref<1024x128xf32, #tpu.memory_space<vmem>>, %arg5: memref<1024x64xf32, #tpu.memory_space<vmem>>, %arg6: memref<1024x64xf32, #tpu.memory_space<vmem>>, %arg7: memref<1024x128xf32, #tpu.memory_space<vmem>>) attributes {dimension_semantics = [#tpu.dimension_semantics<arbitrary>], iteration_bounds = array<i64: 13>, scalar_prefetch = 0 : i64, scratch_operands = 2 : i64, tpu.core_type = #tpu.core_type<tc>, window_params = [{pipeline_mode = #tpu.pipeline_mode<synchronous>, transform_indices = @transform_0, window_bounds = array<i64: 1024, 64>}, {transform_indices = @transform_1, window_bounds = array<i64: 8192, 64>}, {transform_indices = @transform_2, window_bounds = array<i64: 8192, 128>}, {pipeline_mode = #tpu.pipeline_mode<synchronous>, transform_indices = @transform_3, window_bounds = array<i64: 1024, 128>}, {pipeline_mode = #tpu.pipeline_mode<synchronous>, transform_indices = @transform_4, window_bounds = array<i64: 1024, 64>}]} {
    %eq3A = arith.constant 0 : i32
    %eq3A_0 = arith.cmpi eq, %arg0, %eq3A : i32
    %convert_element_type3A = arith.extui %eq3A_0 : i1 to i32
    %cond3A = arith.constant 0 : i32
    %cond3A_1 = arith.cmpi ne, %convert_element_type3A, %cond3A : i32
    scf.if %cond3A_1 {
      %get3A_18 = arith.constant 0 : index
      %get3A_19 = arith.constant 0 : index
      %get3A_20 = vector.load %arg1[%get3A_18, %get3A_19] : memref<1024x64xf32, #tpu.memory_space<vmem>>, vector<1024x64xf32>
      %mul3A = arith.mulf %get3A_20, %get3A_20 : vector<1024x64xf32>
      %reduce_sum3A = arith.constant dense<0.000000e+00> : vector<1024xf32>
      %reduce_sum3A_21 = vector.multi_reduction <add>, %mul3A, %reduce_sum3A [1] : vector<1024x64xf32> to vector<1024xf32>
      %broadcast_in_dim3A = vector.shape_cast %reduce_sum3A_21 : vector<1024xf32> to vector<1024x1xf32>
      %sqrt3A = math.sqrt %broadcast_in_dim3A : vector<1024x1xf32>
      %max3A = arith.constant 9.99999996E-13 : f32
      %max3A_22 = vector.broadcast %max3A : f32 to vector<1024x1xf32>
      %max3A_23 = arith.maximumf %sqrt3A, %max3A_22 : vector<1024x1xf32>
      %div3A = arith.constant 2.885390e+01 : f32
      %div3A_24 = vector.broadcast %div3A : f32 to vector<1024x1xf32>
      %div3A_25 = arith.divf %div3A_24, %max3A_23 : vector<1024x1xf32>
      %mul3A_26 = vector.broadcast %div3A_25 : vector<1024x1xf32> to vector<1024x64xf32>
      %mul3A_27 = arith.mulf %get3A_20, %mul3A_26 : vector<1024x64xf32>
      %swap3A_28 = arith.constant 0 : index
      %swap3A_29 = arith.constant 0 : index
      %swap3A_30 = vector.load %arg6[%swap3A_28, %swap3A_29] : memref<1024x64xf32, #tpu.memory_space<vmem>>, vector<1024x64xf32>
      tpu.vector_store %arg6[%swap3A_28, %swap3A_29], %mul3A_27 {strides = array<i32>} : memref<1024x64xf32, #tpu.memory_space<vmem>>, vector<1024x64xf32>,
      %broadcast_in_dim3A_31 = arith.constant 0.000000e+00 : f32
      %broadcast_in_dim3A_32 = vector.broadcast %broadcast_in_dim3A_31 : f32 to vector<1024x128xf32>
      %swap3A_33 = arith.constant 0 : index
      %swap3A_34 = arith.constant 0 : index
      %swap3A_35 = vector.load %arg7[%swap3A_33, %swap3A_34] : memref<1024x128xf32, #tpu.memory_space<vmem>>, vector<1024x128xf32>
      tpu.vector_store %arg7[%swap3A_33, %swap3A_34], %broadcast_in_dim3A_32 {strides = array<i32>} : memref<1024x128xf32, #tpu.memory_space<vmem>>, vector<1024x128xf32>,
    } else {
    }
    %get3A = arith.constant 0 : index
    %get3A_2 = arith.constant 0 : index
    %get3A_3 = vector.load %arg2[%get3A, %get3A_2] : memref<8192x64xf32, #tpu.memory_space<vmem>>, vector<8192x64xf32>
    %swap3A = arith.constant 0 : index
    %swap3A_4 = arith.constant 0 : index
    %swap3A_5 = vector.load %arg3[%swap3A, %swap3A_4] : memref<8192x128xf32, #tpu.memory_space<vmem>>, vector<8192x64xf32>
    tpu.vector_store %arg3[%swap3A, %swap3A_4], %get3A_3 {strides = array<i32>} : memref<8192x128xf32, #tpu.memory_space<vmem>>, vector<8192x64xf32>,
    %get3A_6 = arith.constant 0 : index
    %get3A_7 = arith.constant 0 : index
    %get3A_8 = vector.load %arg6[%get3A_6, %get3A_7] : memref<1024x64xf32, #tpu.memory_space<vmem>>, vector<1024x64xf32>
    %lt3A = arith.constant 12 : i32
    %lt3A_9 = arith.cmpi slt, %arg0, %lt3A : i32
    %convert_element_type3A_10 = arith.extui %lt3A_9 : i1 to i32
    %cond3A_11 = arith.constant 0 : i32
    %cond3A_12 = arith.cmpi ne, %convert_element_type3A_10, %cond3A_11 : i32
    scf.if %cond3A_12 {
      %slice3A = vector.extract_strided_slice %get3A_3 {offsets = [0, 0], sizes = [1024, 64], strides = [1, 1]} : vector<8192x64xf32> to vector<1024x64xf32>
      %dot_general3A = arith.constant dense<0.000000e+00> : vector<1024x1024xf32>
      %dot_general3A_18 = tpu.matmul %get3A_8, %slice3A, %dot_general3A {dimension_numbers = #tpu.dot_dimension_numbers<[1], [1], [0], [0], [0, 0, 1, 0], [], []>, transpose_lhs_hint = false} : vector<1024x64xf32>, vector<1024x64xf32>, vector<1024x1024xf32> -> vector<1024x1024xf32>
      %slice3A_19 = vector.extract_strided_slice %dot_general3A_18 {offsets = [0, 0], sizes = [1024, 128], strides = [1, 1]} : vector<1024x1024xf32> to vector<1024x128xf32>
      %sub3A = arith.constant 2.885390e+01 : f32
      %sub3A_20 = vector.broadcast %sub3A : f32 to vector<1024x128xf32>
      %sub3A_21 = arith.subf %slice3A_19, %sub3A_20 : vector<1024x128xf32>
      %exp23A = math.exp2 %sub3A_21 : vector<1024x128xf32>
      %slice3A_22 = vector.extract_strided_slice %dot_general3A_18 {offsets = [0, 128], sizes = [1024, 128], strides = [1, 1]} : vector<1024x1024xf32> to vector<1024x128xf32>
      %sub3A_23 = arith.constant 2.885390e+01 : f32
      %sub3A_24 = vector.broadcast %sub3A_23 : f32 to vector<1024x128xf32>
      %sub3A_25 = arith.subf %slice3A_22, %sub3A_24 : vector<1024x128xf32>
      %exp23A_26 = math.exp2 %sub3A_25 : vector<1024x128xf32>
      %slice3A_27 = vector.extract_strided_slice %dot_general3A_18 {offsets = [0, 256], sizes = [1024, 128], strides = [1, 1]} : vector<1024x1024xf32> to vector<1024x128xf32>
      %sub3A_28 = arith.constant 2.885390e+01 : f32
      %sub3A_29 = vector.broadcast %sub3A_28 : f32 to vector<1024x128xf32>
      %sub3A_30 = arith.subf %slice3A_27, %sub3A_29 : vector<1024x128xf32>
      %exp23A_31 = math.exp2 %sub3A_30 : vector<1024x128xf32>
      %slice3A_32 = vector.extract_strided_slice %dot_general3A_18 {offsets = [0, 384], sizes = [1024, 128], strides = [1, 1]} : vector<1024x1024xf32> to vector<1024x128xf32>
      %sub3A_33 = arith.constant 2.885390e+01 : f32
      %sub3A_34 = vector.broadcast %sub3A_33 : f32 to vector<1024x128xf32>
      %sub3A_35 = arith.subf %slice3A_32, %sub3A_34 : vector<1024x128xf32>
      %exp23A_36 = math.exp2 %sub3A_35 : vector<1024x128xf32>
      %slice3A_37 = vector.extract_strided_slice %dot_general3A_18 {offsets = [0, 512], sizes = [1024, 128], strides = [1, 1]} : vector<1024x1024xf32> to vector<1024x128xf32>
      %sub3A_38 = arith.constant 2.885390e+01 : f32
      %sub3A_39 = vector.broadcast %sub3A_38 : f32 to vector<1024x128xf32>
      %sub3A_40 = arith.subf %slice3A_37, %sub3A_39 : vector<1024x128xf32>
      %exp23A_41 = math.exp2 %sub3A_40 : vector<1024x128xf32>
      %slice3A_42 = vector.extract_strided_slice %dot_general3A_18 {offsets = [0, 640], sizes = [1024, 128], strides = [1, 1]} : vector<1024x1024xf32> to vector<1024x128xf32>
      %sub3A_43 = arith.constant 2.885390e+01 : f32
      %sub3A_44 = vector.broadcast %sub3A_43 : f32 to vector<1024x128xf32>
      %sub3A_45 = arith.subf %slice3A_42, %sub3A_44 : vector<1024x128xf32>
      %exp23A_46 = math.exp2 %sub3A_45 : vector<1024x128xf32>
      %slice3A_47 = vector.extract_strided_slice %dot_general3A_18 {offsets = [0, 768], sizes = [1024, 128], strides = [1, 1]} : vector<1024x1024xf32> to vector<1024x128xf32>
      %sub3A_48 = arith.constant 2.885390e+01 : f32
      %sub3A_49 = vector.broadcast %sub3A_48 : f32 to vector<1024x128xf32>
      %sub3A_50 = arith.subf %slice3A_47, %sub3A_49 : vector<1024x128xf32>
      %exp23A_51 = math.exp2 %sub3A_50 : vector<1024x128xf32>
      %slice3A_52 = vector.extract_strided_slice %dot_general3A_18 {offsets = [0, 896], sizes = [1024, 128], strides = [1, 1]} : vector<1024x1024xf32> to vector<1024x128xf32>
      %sub3A_53 = arith.constant 2.885390e+01 : f32
      %sub3A_54 = vector.broadcast %sub3A_53 : f32 to vector<1024x128xf32>
      %sub3A_55 = arith.subf %slice3A_52, %sub3A_54 : vector<1024x128xf32>
      %exp23A_56 = math.exp2 %sub3A_55 : vector<1024x128xf32>
      %add3A = arith.addf %exp23A, %exp23A_26 : vector<1024x128xf32>
      %add3A_57 = arith.addf %exp23A_31, %exp23A_36 : vector<1024x128xf32>
      %add3A_58 = arith.addf %exp23A_41, %exp23A_46 : vector<1024x128xf32>
      %add3A_59 = arith.addf %exp23A_51, %exp23A_56 : vector<1024x128xf32>
      %add3A_60 = arith.addf %add3A, %add3A_57 : vector<1024x128xf32>
      %add3A_61 = arith.addf %add3A_58, %add3A_59 : vector<1024x128xf32>
      %add3A_62 = arith.addf %add3A_60, %add3A_61 : vector<1024x128xf32>
      %slice3A_63 = vector.extract_strided_slice %get3A_3 {offsets = [1024, 0], sizes = [1024, 64], strides = [1, 1]} : vector<8192x64xf32> to vector<1024x64xf32>
      %dot_general3A_64 = arith.constant dense<0.000000e+00> : vector<1024x1024xf32>
      %dot_general3A_65 = tpu.matmul %get3A_8, %slice3A_63, %dot_general3A_64 {dimension_numbers = #tpu.dot_dimension_numbers<[1], [1], [0], [0], [0, 0, 1, 0], [], []>, transpose_lhs_hint = false} : vector<1024x64xf32>, vector<1024x64xf32>, vector<1024x1024xf32> -> vector<1024x1024xf32>
      %slice3A_66 = vector.extract_strided_slice %dot_general3A_65 {offsets = [0, 0], sizes = [1024, 128], strides = [1, 1]} : vector<1024x1024xf32> to vector<1024x128xf32>
      %sub3A_67 = arith.constant 2.885390e+01 : f32
      %sub3A_68 = vector.broadcast %sub3A_67 : f32 to vector<1024x128xf32>
      %sub3A_69 = arith.subf %slice3A_66, %sub3A_68 : vector<1024x128xf32>
      %exp23A_70 = math.exp2 %sub3A_69 : vector<1024x128xf32>
      %slice3A_71 = vector.extract_strided_slice %dot_general3A_65 {offsets = [0, 128], sizes = [1024, 128], strides = [1, 1]} : vector<1024x1024xf32> to vector<1024x128xf32>
      %sub3A_72 = arith.constant 2.885390e+01 : f32
      %sub3A_73 = vector.broadcast %sub3A_72 : f32 to vector<1024x128xf32>
      %sub3A_74 = arith.subf %slice3A_71, %sub3A_73 : vector<1024x128xf32>
      %exp23A_75 = math.exp2 %sub3A_74 : vector<1024x128xf32>
      %slice3A_76 = vector.extract_strided_slice %dot_general3A_65 {offsets = [0, 256], sizes = [1024, 128], strides = [1, 1]} : vector<1024x1024xf32> to vector<1024x128xf32>
      %sub3A_77 = arith.constant 2.885390e+01 : f32
      %sub3A_78 = vector.broadcast %sub3A_77 : f32 to vector<1024x128xf32>
      %sub3A_79 = arith.subf %slice3A_76, %sub3A_78 : vector<1024x128xf32>
      %exp23A_80 = math.exp2 %sub3A_79 : vector<1024x128xf32>
      %slice3A_81 = vector.extract_strided_slice %dot_general3A_65 {offsets = [0, 384], sizes = [1024, 128], strides = [1, 1]} : vector<1024x1024xf32> to vector<1024x128xf32>
      %sub3A_82 = arith.constant 2.885390e+01 : f32
      %sub3A_83 = vector.broadcast %sub3A_82 : f32 to vector<1024x128xf32>
      %sub3A_84 = arith.subf %slice3A_81, %sub3A_83 : vector<1024x128xf32>
      %exp23A_85 = math.exp2 %sub3A_84 : vector<1024x128xf32>
      %slice3A_86 = vector.extract_strided_slice %dot_general3A_65 {offsets = [0, 512], sizes = [1024, 128], strides = [1, 1]} : vector<1024x1024xf32> to vector<1024x128xf32>
      %sub3A_87 = arith.constant 2.885390e+01 : f32
      %sub3A_88 = vector.broadcast %sub3A_87 : f32 to vector<1024x128xf32>
      %sub3A_89 = arith.subf %slice3A_86, %sub3A_88 : vector<1024x128xf32>
      %exp23A_90 = math.exp2 %sub3A_89 : vector<1024x128xf32>
      %slice3A_91 = vector.extract_strided_slice %dot_general3A_65 {offsets = [0, 640], sizes = [1024, 128], strides = [1, 1]} : vector<1024x1024xf32> to vector<1024x128xf32>
      %sub3A_92 = arith.constant 2.885390e+01 : f32
      %sub3A_93 = vector.broadcast %sub3A_92 : f32 to vector<1024x128xf32>
      %sub3A_94 = arith.subf %slice3A_91, %sub3A_93 : vector<1024x128xf32>
      %exp23A_95 = math.exp2 %sub3A_94 : vector<1024x128xf32>
      %slice3A_96 = vector.extract_strided_slice %dot_general3A_65 {offsets = [0, 768], sizes = [1024, 128], strides = [1, 1]} : vector<1024x1024xf32> to vector<1024x128xf32>
      %sub3A_97 = arith.constant 2.885390e+01 : f32
      %sub3A_98 = vector.broadcast %sub3A_97 : f32 to vector<1024x128xf32>
      %sub3A_99 = arith.subf %slice3A_96, %sub3A_98 : vector<1024x128xf32>
      %exp23A_100 = math.exp2 %sub3A_99 : vector<1024x128xf32>
      %slice3A_101 = vector.extract_strided_slice %dot_general3A_65 {offsets = [0, 896], sizes = [1024, 128], strides = [1, 1]} : vector<1024x1024xf32> to vector<1024x128xf32>
      %sub3A_102 = arith.constant 2.885390e+01 : f32
      %sub3A_103 = vector.broadcast %sub3A_102 : f32 to vector<1024x128xf32>
      %sub3A_104 = arith.subf %slice3A_101, %sub3A_103 : vector<1024x128xf32>
      %exp23A_105 = math.exp2 %sub3A_104 : vector<1024x128xf32>
      %add3A_106 = arith.addf %exp23A_70, %exp23A_75 : vector<1024x128xf32>
      %add3A_107 = arith.addf %exp23A_80, %exp23A_85 : vector<1024x128xf32>
      %add3A_108 = arith.addf %exp23A_90, %exp23A_95 : vector<1024x128xf32>
      %add3A_109 = arith.addf %exp23A_100, %exp23A_105 : vector<1024x128xf32>
      %add3A_110 = arith.addf %add3A_106, %add3A_107 : vector<1024x128xf32>
      %add3A_111 = arith.addf %add3A_108, %add3A_109 : vector<1024x128xf32>
      %add3A_112 = arith.addf %add3A_110, %add3A_111 : vector<1024x128xf32>
      %slice3A_113 = vector.extract_strided_slice %get3A_3 {offsets = [2048, 0], sizes = [1024, 64], strides = [1, 1]} : vector<8192x64xf32> to vector<1024x64xf32>
      %dot_general3A_114 = arith.constant dense<0.000000e+00> : vector<1024x1024xf32>
      %dot_general3A_115 = tpu.matmul %get3A_8, %slice3A_113, %dot_general3A_114 {dimension_numbers = #tpu.dot_dimension_numbers<[1], [1], [0], [0], [0, 0, 1, 0], [], []>, transpose_lhs_hint = false} : vector<1024x64xf32>, vector<1024x64xf32>, vector<1024x1024xf32> -> vector<1024x1024xf32>
      %slice3A_116 = vector.extract_strided_slice %dot_general3A_115 {offsets = [0, 0], sizes = [1024, 128], strides = [1, 1]} : vector<1024x1024xf32> to vector<1024x128xf32>
      %sub3A_117 = arith.constant 2.885390e+01 : f32
      %sub3A_118 = vector.broadcast %sub3A_117 : f32 to vector<1024x128xf32>
      %sub3A_119 = arith.subf %slice3A_116, %sub3A_118 : vector<1024x128xf32>
      %exp23A_120 = math.exp2 %sub3A_119 : vector<1024x128xf32>
      %slice3A_121 = vector.extract_strided_slice %dot_general3A_115 {offsets = [0, 128], sizes = [1024, 128], strides = [1, 1]} : vector<1024x1024xf32> to vector<1024x128xf32>
      %sub3A_122 = arith.constant 2.885390e+01 : f32
      %sub3A_123 = vector.broadcast %sub3A_122 : f32 to vector<1024x128xf32>
      %sub3A_124 = arith.subf %slice3A_121, %sub3A_123 : vector<1024x128xf32>
      %exp23A_125 = math.exp2 %sub3A_124 : vector<1024x128xf32>
      %slice3A_126 = vector.extract_strided_slice %dot_general3A_115 {offsets = [0, 256], sizes = [1024, 128], strides = [1, 1]} : vector<1024x1024xf32> to vector<1024x128xf32>
      %sub3A_127 = arith.constant 2.885390e+01 : f32
      %sub3A_128 = vector.broadcast %sub3A_127 : f32 to vector<1024x128xf32>
      %sub3A_129 = arith.subf %slice3A_126, %sub3A_128 : vector<1024x128xf32>
      %exp23A_130 = math.exp2 %sub3A_129 : vector<1024x128xf32>
      %slice3A_131 = vector.extract_strided_slice %dot_general3A_115 {offsets = [0, 384], sizes = [1024, 128], strides = [1, 1]} : vector<1024x1024xf32> to vector<1024x128xf32>
      %sub3A_132 = arith.constant 2.885390e+01 : f32
      %sub3A_133 = vector.broadcast %sub3A_132 : f32 to vector<1024x128xf32>
      %sub3A_134 = arith.subf %slice3A_131, %sub3A_133 : vector<1024x128xf32>
      %exp23A_135 = math.exp2 %sub3A_134 : vector<1024x128xf32>
      %slice3A_136 = vector.extract_strided_slice %dot_general3A_115 {offsets = [0, 512], sizes = [1024, 128], strides = [1, 1]} : vector<1024x1024xf32> to vector<1024x128xf32>
      %sub3A_137 = arith.constant 2.885390e+01 : f32
      %sub3A_138 = vector.broadcast %sub3A_137 : f32 to vector<1024x128xf32>
      %sub3A_139 = arith.subf %slice3A_136, %sub3A_138 : vector<1024x128xf32>
      %exp23A_140 = math.exp2 %sub3A_139 : vector<1024x128xf32>
      %slice3A_141 = vector.extract_strided_slice %dot_general3A_115 {offsets = [0, 640], sizes = [1024, 128], strides = [1, 1]} : vector<1024x1024xf32> to vector<1024x128xf32>
      %sub3A_142 = arith.constant 2.885390e+01 : f32
      %sub3A_143 = vector.broadcast %sub3A_142 : f32 to vector<1024x128xf32>
      %sub3A_144 = arith.subf %slice3A_141, %sub3A_143 : vector<1024x128xf32>
      %exp23A_145 = math.exp2 %sub3A_144 : vector<1024x128xf32>
      %slice3A_146 = vector.extract_strided_slice %dot_general3A_115 {offsets = [0, 768], sizes = [1024, 128], strides = [1, 1]} : vector<1024x1024xf32> to vector<1024x128xf32>
      %sub3A_147 = arith.constant 2.885390e+01 : f32
      %sub3A_148 = vector.broadcast %sub3A_147 : f32 to vector<1024x128xf32>
      %sub3A_149 = arith.subf %slice3A_146, %sub3A_148 : vector<1024x128xf32>
      %exp23A_150 = math.exp2 %sub3A_149 : vector<1024x128xf32>
      %slice3A_151 = vector.extract_strided_slice %dot_general3A_115 {offsets = [0, 896], sizes = [1024, 128], strides = [1, 1]} : vector<1024x1024xf32> to vector<1024x128xf32>
      %sub3A_152 = arith.constant 2.885390e+01 : f32
      %sub3A_153 = vector.broadcast %sub3A_152 : f32 to vector<1024x128xf32>
      %sub3A_154 = arith.subf %slice3A_151, %sub3A_153 : vector<1024x128xf32>
      %exp23A_155 = math.exp2 %sub3A_154 : vector<1024x128xf32>
      %add3A_156 = arith.addf %exp23A_120, %exp23A_125 : vector<1024x128xf32>
      %add3A_157 = arith.addf %exp23A_130, %exp23A_135 : vector<1024x128xf32>
      %add3A_158 = arith.addf %exp23A_140, %exp23A_145 : vector<1024x128xf32>
      %add3A_159 = arith.addf %exp23A_150, %exp23A_155 : vector<1024x128xf32>
      %add3A_160 = arith.addf %add3A_156, %add3A_157 : vector<1024x128xf32>
      %add3A_161 = arith.addf %add3A_158, %add3A_159 : vector<1024x128xf32>
      %add3A_162 = arith.addf %add3A_160, %add3A_161 : vector<1024x128xf32>
      %slice3A_163 = vector.extract_strided_slice %get3A_3 {offsets = [3072, 0], sizes = [1024, 64], strides = [1, 1]} : vector<8192x64xf32> to vector<1024x64xf32>
      %dot_general3A_164 = arith.constant dense<0.000000e+00> : vector<1024x1024xf32>
      %dot_general3A_165 = tpu.matmul %get3A_8, %slice3A_163, %dot_general3A_164 {dimension_numbers = #tpu.dot_dimension_numbers<[1], [1], [0], [0], [0, 0, 1, 0], [], []>, transpose_lhs_hint = false} : vector<1024x64xf32>, vector<1024x64xf32>, vector<1024x1024xf32> -> vector<1024x1024xf32>
      %slice3A_166 = vector.extract_strided_slice %dot_general3A_165 {offsets = [0, 0], sizes = [1024, 128], strides = [1, 1]} : vector<1024x1024xf32> to vector<1024x128xf32>
      %sub3A_167 = arith.constant 2.885390e+01 : f32
      %sub3A_168 = vector.broadcast %sub3A_167 : f32 to vector<1024x128xf32>
      %sub3A_169 = arith.subf %slice3A_166, %sub3A_168 : vector<1024x128xf32>
      %exp23A_170 = math.exp2 %sub3A_169 : vector<1024x128xf32>
      %slice3A_171 = vector.extract_strided_slice %dot_general3A_165 {offsets = [0, 128], sizes = [1024, 128], strides = [1, 1]} : vector<1024x1024xf32> to vector<1024x128xf32>
      %sub3A_172 = arith.constant 2.885390e+01 : f32
      %sub3A_173 = vector.broadcast %sub3A_172 : f32 to vector<1024x128xf32>
      %sub3A_174 = arith.subf %slice3A_171, %sub3A_173 : vector<1024x128xf32>
      %exp23A_175 = math.exp2 %sub3A_174 : vector<1024x128xf32>
      %slice3A_176 = vector.extract_strided_slice %dot_general3A_165 {offsets = [0, 256], sizes = [1024, 128], strides = [1, 1]} : vector<1024x1024xf32> to vector<1024x128xf32>
      %sub3A_177 = arith.constant 2.885390e+01 : f32
      %sub3A_178 = vector.broadcast %sub3A_177 : f32 to vector<1024x128xf32>
      %sub3A_179 = arith.subf %slice3A_176, %sub3A_178 : vector<1024x128xf32>
      %exp23A_180 = math.exp2 %sub3A_179 : vector<1024x128xf32>
      %slice3A_181 = vector.extract_strided_slice %dot_general3A_165 {offsets = [0, 384], sizes = [1024, 128], strides = [1, 1]} : vector<1024x1024xf32> to vector<1024x128xf32>
      %sub3A_182 = arith.constant 2.885390e+01 : f32
      %sub3A_183 = vector.broadcast %sub3A_182 : f32 to vector<1024x128xf32>
      %sub3A_184 = arith.subf %slice3A_181, %sub3A_183 : vector<1024x128xf32>
      %exp23A_185 = math.exp2 %sub3A_184 : vector<1024x128xf32>
      %slice3A_186 = vector.extract_strided_slice %dot_general3A_165 {offsets = [0, 512], sizes = [1024, 128], strides = [1, 1]} : vector<1024x1024xf32> to vector<1024x128xf32>
      %sub3A_187 = arith.constant 2.885390e+01 : f32
      %sub3A_188 = vector.broadcast %sub3A_187 : f32 to vector<1024x128xf32>
      %sub3A_189 = arith.subf %slice3A_186, %sub3A_188 : vector<1024x128xf32>
      %exp23A_190 = math.exp2 %sub3A_189 : vector<1024x128xf32>
      %slice3A_191 = vector.extract_strided_slice %dot_general3A_165 {offsets = [0, 640], sizes = [1024, 128], strides = [1, 1]} : vector<1024x1024xf32> to vector<1024x128xf32>
      %sub3A_192 = arith.constant 2.885390e+01 : f32
      %sub3A_193 = vector.broadcast %sub3A_192 : f32 to vector<1024x128xf32>
      %sub3A_194 = arith.subf %slice3A_191, %sub3A_193 : vector<1024x128xf32>
      %exp23A_195 = math.exp2 %sub3A_194 : vector<1024x128xf32>
      %slice3A_196 = vector.extract_strided_slice %dot_general3A_165 {offsets = [0, 768], sizes = [1024, 128], strides = [1, 1]} : vector<1024x1024xf32> to vector<1024x128xf32>
      %sub3A_197 = arith.constant 2.885390e+01 : f32
      %sub3A_198 = vector.broadcast %sub3A_197 : f32 to vector<1024x128xf32>
      %sub3A_199 = arith.subf %slice3A_196, %sub3A_198 : vector<1024x128xf32>
      %exp23A_200 = math.exp2 %sub3A_199 : vector<1024x128xf32>
      %slice3A_201 = vector.extract_strided_slice %dot_general3A_165 {offsets = [0, 896], sizes = [1024, 128], strides = [1, 1]} : vector<1024x1024xf32> to vector<1024x128xf32>
      %sub3A_202 = arith.constant 2.885390e+01 : f32
      %sub3A_203 = vector.broadcast %sub3A_202 : f32 to vector<1024x128xf32>
      %sub3A_204 = arith.subf %slice3A_201, %sub3A_203 : vector<1024x128xf32>
      %exp23A_205 = math.exp2 %sub3A_204 : vector<1024x128xf32>
      %add3A_206 = arith.addf %exp23A_170, %exp23A_175 : vector<1024x128xf32>
      %add3A_207 = arith.addf %exp23A_180, %exp23A_185 : vector<1024x128xf32>
      %add3A_208 = arith.addf %exp23A_190, %exp23A_195 : vector<1024x128xf32>
      %add3A_209 = arith.addf %exp23A_200, %exp23A_205 : vector<1024x128xf32>
      %add3A_210 = arith.addf %add3A_206, %add3A_207 : vector<1024x128xf32>
      %add3A_211 = arith.addf %add3A_208, %add3A_209 : vector<1024x128xf32>
      %add3A_212 = arith.addf %add3A_210, %add3A_211 : vector<1024x128xf32>
      %slice3A_213 = vector.extract_strided_slice %get3A_3 {offsets = [4096, 0], sizes = [1024, 64], strides = [1, 1]} : vector<8192x64xf32> to vector<1024x64xf32>
      %dot_general3A_214 = arith.constant dense<0.000000e+00> : vector<1024x1024xf32>
      %dot_general3A_215 = tpu.matmul %get3A_8, %slice3A_213, %dot_general3A_214 {dimension_numbers = #tpu.dot_dimension_numbers<[1], [1], [0], [0], [0, 0, 1, 0], [], []>, transpose_lhs_hint = false} : vector<1024x64xf32>, vector<1024x64xf32>, vector<1024x1024xf32> -> vector<1024x1024xf32>
      %slice3A_216 = vector.extract_strided_slice %dot_general3A_215 {offsets = [0, 0], sizes = [1024, 128], strides = [1, 1]} : vector<1024x1024xf32> to vector<1024x128xf32>
      %sub3A_217 = arith.constant 2.885390e+01 : f32
      %sub3A_218 = vector.broadcast %sub3A_217 : f32 to vector<1024x128xf32>
      %sub3A_219 = arith.subf %slice3A_216, %sub3A_218 : vector<1024x128xf32>
      %exp23A_220 = math.exp2 %sub3A_219 : vector<1024x128xf32>
      %slice3A_221 = vector.extract_strided_slice %dot_general3A_215 {offsets = [0, 128], sizes = [1024, 128], strides = [1, 1]} : vector<1024x1024xf32> to vector<1024x128xf32>
      %sub3A_222 = arith.constant 2.885390e+01 : f32
      %sub3A_223 = vector.broadcast %sub3A_222 : f32 to vector<1024x128xf32>
      %sub3A_224 = arith.subf %slice3A_221, %sub3A_223 : vector<1024x128xf32>
      %exp23A_225 = math.exp2 %sub3A_224 : vector<1024x128xf32>
      %slice3A_226 = vector.extract_strided_slice %dot_general3A_215 {offsets = [0, 256], sizes = [1024, 128], strides = [1, 1]} : vector<1024x1024xf32> to vector<1024x128xf32>
      %sub3A_227 = arith.constant 2.885390e+01 : f32
      %sub3A_228 = vector.broadcast %sub3A_227 : f32 to vector<1024x128xf32>
      %sub3A_229 = arith.subf %slice3A_226, %sub3A_228 : vector<1024x128xf32>
      %exp23A_230 = math.exp2 %sub3A_229 : vector<1024x128xf32>
      %slice3A_231 = vector.extract_strided_slice %dot_general3A_215 {offsets = [0, 384], sizes = [1024, 128], strides = [1, 1]} : vector<1024x1024xf32> to vector<1024x128xf32>
      %sub3A_232 = arith.constant 2.885390e+01 : f32
      %sub3A_233 = vector.broadcast %sub3A_232 : f32 to vector<1024x128xf32>
      %sub3A_234 = arith.subf %slice3A_231, %sub3A_233 : vector<1024x128xf32>
      %exp23A_235 = math.exp2 %sub3A_234 : vector<1024x128xf32>
      %slice3A_236 = vector.extract_strided_slice %dot_general3A_215 {offsets = [0, 512], sizes = [1024, 128], strides = [1, 1]} : vector<1024x1024xf32> to vector<1024x128xf32>
      %sub3A_237 = arith.constant 2.885390e+01 : f32
      %sub3A_238 = vector.broadcast %sub3A_237 : f32 to vector<1024x128xf32>
      %sub3A_239 = arith.subf %slice3A_236, %sub3A_238 : vector<1024x128xf32>
      %exp23A_240 = math.exp2 %sub3A_239 : vector<1024x128xf32>
      %slice3A_241 = vector.extract_strided_slice %dot_general3A_215 {offsets = [0, 640], sizes = [1024, 128], strides = [1, 1]} : vector<1024x1024xf32> to vector<1024x128xf32>
      %sub3A_242 = arith.constant 2.885390e+01 : f32
      %sub3A_243 = vector.broadcast %sub3A_242 : f32 to vector<1024x128xf32>
      %sub3A_244 = arith.subf %slice3A_241, %sub3A_243 : vector<1024x128xf32>
      %exp23A_245 = math.exp2 %sub3A_244 : vector<1024x128xf32>
      %slice3A_246 = vector.extract_strided_slice %dot_general3A_215 {offsets = [0, 768], sizes = [1024, 128], strides = [1, 1]} : vector<1024x1024xf32> to vector<1024x128xf32>
      %sub3A_247 = arith.constant 2.885390e+01 : f32
      %sub3A_248 = vector.broadcast %sub3A_247 : f32 to vector<1024x128xf32>
      %sub3A_249 = arith.subf %slice3A_246, %sub3A_248 : vector<1024x128xf32>
      %exp23A_250 = math.exp2 %sub3A_249 : vector<1024x128xf32>
      %slice3A_251 = vector.extract_strided_slice %dot_general3A_215 {offsets = [0, 896], sizes = [1024, 128], strides = [1, 1]} : vector<1024x1024xf32> to vector<1024x128xf32>
      %sub3A_252 = arith.constant 2.885390e+01 : f32
      %sub3A_253 = vector.broadcast %sub3A_252 : f32 to vector<1024x128xf32>
      %sub3A_254 = arith.subf %slice3A_251, %sub3A_253 : vector<1024x128xf32>
      %exp23A_255 = math.exp2 %sub3A_254 : vector<1024x128xf32>
      %add3A_256 = arith.addf %exp23A_220, %exp23A_225 : vector<1024x128xf32>
      %add3A_257 = arith.addf %exp23A_230, %exp23A_235 : vector<1024x128xf32>
      %add3A_258 = arith.addf %exp23A_240, %exp23A_245 : vector<1024x128xf32>
      %add3A_259 = arith.addf %exp23A_250, %exp23A_255 : vector<1024x128xf32>
      %add3A_260 = arith.addf %add3A_256, %add3A_257 : vector<1024x128xf32>
      %add3A_261 = arith.addf %add3A_258, %add3A_259 : vector<1024x128xf32>
      %add3A_262 = arith.addf %add3A_260, %add3A_261 : vector<1024x128xf32>
      %slice3A_263 = vector.extract_strided_slice %get3A_3 {offsets = [5120, 0], sizes = [1024, 64], strides = [1, 1]} : vector<8192x64xf32> to vector<1024x64xf32>
      %dot_general3A_264 = arith.constant dense<0.000000e+00> : vector<1024x1024xf32>
      %dot_general3A_265 = tpu.matmul %get3A_8, %slice3A_263, %dot_general3A_264 {dimension_numbers = #tpu.dot_dimension_numbers<[1], [1], [0], [0], [0, 0, 1, 0], [], []>, transpose_lhs_hint = false} : vector<1024x64xf32>, vector<1024x64xf32>, vector<1024x1024xf32> -> vector<1024x1024xf32>
      %slice3A_266 = vector.extract_strided_slice %dot_general3A_265 {offsets = [0, 0], sizes = [1024, 128], strides = [1, 1]} : vector<1024x1024xf32> to vector<1024x128xf32>
      %sub3A_267 = arith.constant 2.885390e+01 : f32
      %sub3A_268 = vector.broadcast %sub3A_267 : f32 to vector<1024x128xf32>
      %sub3A_269 = arith.subf %slice3A_266, %sub3A_268 : vector<1024x128xf32>
      %exp23A_270 = math.exp2 %sub3A_269 : vector<1024x128xf32>
      %slice3A_271 = vector.extract_strided_slice %dot_general3A_265 {offsets = [0, 128], sizes = [1024, 128], strides = [1, 1]} : vector<1024x1024xf32> to vector<1024x128xf32>
      %sub3A_272 = arith.constant 2.885390e+01 : f32
      %sub3A_273 = vector.broadcast %sub3A_272 : f32 to vector<1024x128xf32>
      %sub3A_274 = arith.subf %slice3A_271, %sub3A_273 : vector<1024x128xf32>
      %exp23A_275 = math.exp2 %sub3A_274 : vector<1024x128xf32>
      %slice3A_276 = vector.extract_strided_slice %dot_general3A_265 {offsets = [0, 256], sizes = [1024, 128], strides = [1, 1]} : vector<1024x1024xf32> to vector<1024x128xf32>
      %sub3A_277 = arith.constant 2.885390e+01 : f32
      %sub3A_278 = vector.broadcast %sub3A_277 : f32 to vector<1024x128xf32>
      %sub3A_279 = arith.subf %slice3A_276, %sub3A_278 : vector<1024x128xf32>
      %exp23A_280 = math.exp2 %sub3A_279 : vector<1024x128xf32>
      %slice3A_281 = vector.extract_strided_slice %dot_general3A_265 {offsets = [0, 384], sizes = [1024, 128], strides = [1, 1]} : vector<1024x1024xf32> to vector<1024x128xf32>
      %sub3A_282 = arith.constant 2.885390e+01 : f32
      %sub3A_283 = vector.broadcast %sub3A_282 : f32 to vector<1024x128xf32>
      %sub3A_284 = arith.subf %slice3A_281, %sub3A_283 : vector<1024x128xf32>
      %exp23A_285 = math.exp2 %sub3A_284 : vector<1024x128xf32>
      %slice3A_286 = vector.extract_strided_slice %dot_general3A_265 {offsets = [0, 512], sizes = [1024, 128], strides = [1, 1]} : vector<1024x1024xf32> to vector<1024x128xf32>
      %sub3A_287 = arith.constant 2.885390e+01 : f32
      %sub3A_288 = vector.broadcast %sub3A_287 : f32 to vector<1024x128xf32>
      %sub3A_289 = arith.subf %slice3A_286, %sub3A_288 : vector<1024x128xf32>
      %exp23A_290 = math.exp2 %sub3A_289 : vector<1024x128xf32>
      %slice3A_291 = vector.extract_strided_slice %dot_general3A_265 {offsets = [0, 640], sizes = [1024, 128], strides = [1, 1]} : vector<1024x1024xf32> to vector<1024x128xf32>
      %sub3A_292 = arith.constant 2.885390e+01 : f32
      %sub3A_293 = vector.broadcast %sub3A_292 : f32 to vector<1024x128xf32>
      %sub3A_294 = arith.subf %slice3A_291, %sub3A_293 : vector<1024x128xf32>
      %exp23A_295 = math.exp2 %sub3A_294 : vector<1024x128xf32>
      %slice3A_296 = vector.extract_strided_slice %dot_general3A_265 {offsets = [0, 768], sizes = [1024, 128], strides = [1, 1]} : vector<1024x1024xf32> to vector<1024x128xf32>
      %sub3A_297 = arith.constant 2.885390e+01 : f32
      %sub3A_298 = vector.broadcast %sub3A_297 : f32 to vector<1024x128xf32>
      %sub3A_299 = arith.subf %slice3A_296, %sub3A_298 : vector<1024x128xf32>
      %exp23A_300 = math.exp2 %sub3A_299 : vector<1024x128xf32>
      %slice3A_301 = vector.extract_strided_slice %dot_general3A_265 {offsets = [0, 896], sizes = [1024, 128], strides = [1, 1]} : vector<1024x1024xf32> to vector<1024x128xf32>
      %sub3A_302 = arith.constant 2.885390e+01 : f32
      %sub3A_303 = vector.broadcast %sub3A_302 : f32 to vector<1024x128xf32>
      %sub3A_304 = arith.subf %slice3A_301, %sub3A_303 : vector<1024x128xf32>
      %exp23A_305 = math.exp2 %sub3A_304 : vector<1024x128xf32>
      %add3A_306 = arith.addf %exp23A_270, %exp23A_275 : vector<1024x128xf32>
      %add3A_307 = arith.addf %exp23A_280, %exp23A_285 : vector<1024x128xf32>
      %add3A_308 = arith.addf %exp23A_290, %exp23A_295 : vector<1024x128xf32>
      %add3A_309 = arith.addf %exp23A_300, %exp23A_305 : vector<1024x128xf32>
      %add3A_310 = arith.addf %add3A_306, %add3A_307 : vector<1024x128xf32>
      %add3A_311 = arith.addf %add3A_308, %add3A_309 : vector<1024x128xf32>
      %add3A_312 = arith.addf %add3A_310, %add3A_311 : vector<1024x128xf32>
      %slice3A_313 = vector.extract_strided_slice %get3A_3 {offsets = [6144, 0], sizes = [1024, 64], strides = [1, 1]} : vector<8192x64xf32> to vector<1024x64xf32>
      %dot_general3A_314 = arith.constant dense<0.000000e+00> : vector<1024x1024xf32>
      %dot_general3A_315 = tpu.matmul %get3A_8, %slice3A_313, %dot_general3A_314 {dimension_numbers = #tpu.dot_dimension_numbers<[1], [1], [0], [0], [0, 0, 1, 0], [], []>, transpose_lhs_hint = false} : vector<1024x64xf32>, vector<1024x64xf32>, vector<1024x1024xf32> -> vector<1024x1024xf32>
      %slice3A_316 = vector.extract_strided_slice %dot_general3A_315 {offsets = [0, 0], sizes = [1024, 128], strides = [1, 1]} : vector<1024x1024xf32> to vector<1024x128xf32>
      %sub3A_317 = arith.constant 2.885390e+01 : f32
      %sub3A_318 = vector.broadcast %sub3A_317 : f32 to vector<1024x128xf32>
      %sub3A_319 = arith.subf %slice3A_316, %sub3A_318 : vector<1024x128xf32>
      %exp23A_320 = math.exp2 %sub3A_319 : vector<1024x128xf32>
      %slice3A_321 = vector.extract_strided_slice %dot_general3A_315 {offsets = [0, 128], sizes = [1024, 128], strides = [1, 1]} : vector<1024x1024xf32> to vector<1024x128xf32>
      %sub3A_322 = arith.constant 2.885390e+01 : f32
      %sub3A_323 = vector.broadcast %sub3A_322 : f32 to vector<1024x128xf32>
      %sub3A_324 = arith.subf %slice3A_321, %sub3A_323 : vector<1024x128xf32>
      %exp23A_325 = math.exp2 %sub3A_324 : vector<1024x128xf32>
      %slice3A_326 = vector.extract_strided_slice %dot_general3A_315 {offsets = [0, 256], sizes = [1024, 128], strides = [1, 1]} : vector<1024x1024xf32> to vector<1024x128xf32>
      %sub3A_327 = arith.constant 2.885390e+01 : f32
      %sub3A_328 = vector.broadcast %sub3A_327 : f32 to vector<1024x128xf32>
      %sub3A_329 = arith.subf %slice3A_326, %sub3A_328 : vector<1024x128xf32>
      %exp23A_330 = math.exp2 %sub3A_329 : vector<1024x128xf32>
      %slice3A_331 = vector.extract_strided_slice %dot_general3A_315 {offsets = [0, 384], sizes = [1024, 128], strides = [1, 1]} : vector<1024x1024xf32> to vector<1024x128xf32>
      %sub3A_332 = arith.constant 2.885390e+01 : f32
      %sub3A_333 = vector.broadcast %sub3A_332 : f32 to vector<1024x128xf32>
      %sub3A_334 = arith.subf %slice3A_331, %sub3A_333 : vector<1024x128xf32>
      %exp23A_335 = math.exp2 %sub3A_334 : vector<1024x128xf32>
      %slice3A_336 = vector.extract_strided_slice %dot_general3A_315 {offsets = [0, 512], sizes = [1024, 128], strides = [1, 1]} : vector<1024x1024xf32> to vector<1024x128xf32>
      %sub3A_337 = arith.constant 2.885390e+01 : f32
      %sub3A_338 = vector.broadcast %sub3A_337 : f32 to vector<1024x128xf32>
      %sub3A_339 = arith.subf %slice3A_336, %sub3A_338 : vector<1024x128xf32>
      %exp23A_340 = math.exp2 %sub3A_339 : vector<1024x128xf32>
      %slice3A_341 = vector.extract_strided_slice %dot_general3A_315 {offsets = [0, 640], sizes = [1024, 128], strides = [1, 1]} : vector<1024x1024xf32> to vector<1024x128xf32>
      %sub3A_342 = arith.constant 2.885390e+01 : f32
      %sub3A_343 = vector.broadcast %sub3A_342 : f32 to vector<1024x128xf32>
      %sub3A_344 = arith.subf %slice3A_341, %sub3A_343 : vector<1024x128xf32>
      %exp23A_345 = math.exp2 %sub3A_344 : vector<1024x128xf32>
      %slice3A_346 = vector.extract_strided_slice %dot_general3A_315 {offsets = [0, 768], sizes = [1024, 128], strides = [1, 1]} : vector<1024x1024xf32> to vector<1024x128xf32>
      %sub3A_347 = arith.constant 2.885390e+01 : f32
      %sub3A_348 = vector.broadcast %sub3A_347 : f32 to vector<1024x128xf32>
      %sub3A_349 = arith.subf %slice3A_346, %sub3A_348 : vector<1024x128xf32>
      %exp23A_350 = math.exp2 %sub3A_349 : vector<1024x128xf32>
      %slice3A_351 = vector.extract_strided_slice %dot_general3A_315 {offsets = [0, 896], sizes = [1024, 128], strides = [1, 1]} : vector<1024x1024xf32> to vector<1024x128xf32>
      %sub3A_352 = arith.constant 2.885390e+01 : f32
      %sub3A_353 = vector.broadcast %sub3A_352 : f32 to vector<1024x128xf32>
      %sub3A_354 = arith.subf %slice3A_351, %sub3A_353 : vector<1024x128xf32>
      %exp23A_355 = math.exp2 %sub3A_354 : vector<1024x128xf32>
      %add3A_356 = arith.addf %exp23A_320, %exp23A_325 : vector<1024x128xf32>
      %add3A_357 = arith.addf %exp23A_330, %exp23A_335 : vector<1024x128xf32>
      %add3A_358 = arith.addf %exp23A_340, %exp23A_345 : vector<1024x128xf32>
      %add3A_359 = arith.addf %exp23A_350, %exp23A_355 : vector<1024x128xf32>
      %add3A_360 = arith.addf %add3A_356, %add3A_357 : vector<1024x128xf32>
      %add3A_361 = arith.addf %add3A_358, %add3A_359 : vector<1024x128xf32>
      %add3A_362 = arith.addf %add3A_360, %add3A_361 : vector<1024x128xf32>
      %slice3A_363 = vector.extract_strided_slice %get3A_3 {offsets = [7168, 0], sizes = [1024, 64], strides = [1, 1]} : vector<8192x64xf32> to vector<1024x64xf32>
      %dot_general3A_364 = arith.constant dense<0.000000e+00> : vector<1024x1024xf32>
      %dot_general3A_365 = tpu.matmul %get3A_8, %slice3A_363, %dot_general3A_364 {dimension_numbers = #tpu.dot_dimension_numbers<[1], [1], [0], [0], [0, 0, 1, 0], [], []>, transpose_lhs_hint = false} : vector<1024x64xf32>, vector<1024x64xf32>, vector<1024x1024xf32> -> vector<1024x1024xf32>
      %slice3A_366 = vector.extract_strided_slice %dot_general3A_365 {offsets = [0, 0], sizes = [1024, 128], strides = [1, 1]} : vector<1024x1024xf32> to vector<1024x128xf32>
      %sub3A_367 = arith.constant 2.885390e+01 : f32
      %sub3A_368 = vector.broadcast %sub3A_367 : f32 to vector<1024x128xf32>
      %sub3A_369 = arith.subf %slice3A_366, %sub3A_368 : vector<1024x128xf32>
      %exp23A_370 = math.exp2 %sub3A_369 : vector<1024x128xf32>
      %slice3A_371 = vector.extract_strided_slice %dot_general3A_365 {offsets = [0, 128], sizes = [1024, 128], strides = [1, 1]} : vector<1024x1024xf32> to vector<1024x128xf32>
      %sub3A_372 = arith.constant 2.885390e+01 : f32
      %sub3A_373 = vector.broadcast %sub3A_372 : f32 to vector<1024x128xf32>
      %sub3A_374 = arith.subf %slice3A_371, %sub3A_373 : vector<1024x128xf32>
      %exp23A_375 = math.exp2 %sub3A_374 : vector<1024x128xf32>
      %slice3A_376 = vector.extract_strided_slice %dot_general3A_365 {offsets = [0, 256], sizes = [1024, 128], strides = [1, 1]} : vector<1024x1024xf32> to vector<1024x128xf32>
      %sub3A_377 = arith.constant 2.885390e+01 : f32
      %sub3A_378 = vector.broadcast %sub3A_377 : f32 to vector<1024x128xf32>
      %sub3A_379 = arith.subf %slice3A_376, %sub3A_378 : vector<1024x128xf32>
      %exp23A_380 = math.exp2 %sub3A_379 : vector<1024x128xf32>
      %slice3A_381 = vector.extract_strided_slice %dot_general3A_365 {offsets = [0, 384], sizes = [1024, 128], strides = [1, 1]} : vector<1024x1024xf32> to vector<1024x128xf32>
      %sub3A_382 = arith.constant 2.885390e+01 : f32
      %sub3A_383 = vector.broadcast %sub3A_382 : f32 to vector<1024x128xf32>
      %sub3A_384 = arith.subf %slice3A_381, %sub3A_383 : vector<1024x128xf32>
      %exp23A_385 = math.exp2 %sub3A_384 : vector<1024x128xf32>
      %slice3A_386 = vector.extract_strided_slice %dot_general3A_365 {offsets = [0, 512], sizes = [1024, 128], strides = [1, 1]} : vector<1024x1024xf32> to vector<1024x128xf32>
      %sub3A_387 = arith.constant 2.885390e+01 : f32
      %sub3A_388 = vector.broadcast %sub3A_387 : f32 to vector<1024x128xf32>
      %sub3A_389 = arith.subf %slice3A_386, %sub3A_388 : vector<1024x128xf32>
      %exp23A_390 = math.exp2 %sub3A_389 : vector<1024x128xf32>
      %slice3A_391 = vector.extract_strided_slice %dot_general3A_365 {offsets = [0, 640], sizes = [1024, 128], strides = [1, 1]} : vector<1024x1024xf32> to vector<1024x128xf32>
      %sub3A_392 = arith.constant 2.885390e+01 : f32
      %sub3A_393 = vector.broadcast %sub3A_392 : f32 to vector<1024x128xf32>
      %sub3A_394 = arith.subf %slice3A_391, %sub3A_393 : vector<1024x128xf32>
      %exp23A_395 = math.exp2 %sub3A_394 : vector<1024x128xf32>
      %slice3A_396 = vector.extract_strided_slice %dot_general3A_365 {offsets = [0, 768], sizes = [1024, 128], strides = [1, 1]} : vector<1024x1024xf32> to vector<1024x128xf32>
      %sub3A_397 = arith.constant 2.885390e+01 : f32
      %sub3A_398 = vector.broadcast %sub3A_397 : f32 to vector<1024x128xf32>
      %sub3A_399 = arith.subf %slice3A_396, %sub3A_398 : vector<1024x128xf32>
      %exp23A_400 = math.exp2 %sub3A_399 : vector<1024x128xf32>
      %slice3A_401 = vector.extract_strided_slice %dot_general3A_365 {offsets = [0, 896], sizes = [1024, 128], strides = [1, 1]} : vector<1024x1024xf32> to vector<1024x128xf32>
      %sub3A_402 = arith.constant 2.885390e+01 : f32
      %sub3A_403 = vector.broadcast %sub3A_402 : f32 to vector<1024x128xf32>
      %sub3A_404 = arith.subf %slice3A_401, %sub3A_403 : vector<1024x128xf32>
      %exp23A_405 = math.exp2 %sub3A_404 : vector<1024x128xf32>
      %add3A_406 = arith.addf %exp23A_370, %exp23A_375 : vector<1024x128xf32>
      %add3A_407 = arith.addf %exp23A_380, %exp23A_385 : vector<1024x128xf32>
      %add3A_408 = arith.addf %exp23A_390, %exp23A_395 : vector<1024x128xf32>
      %add3A_409 = arith.addf %exp23A_400, %exp23A_405 : vector<1024x128xf32>
      %add3A_410 = arith.addf %add3A_406, %add3A_407 : vector<1024x128xf32>
      %add3A_411 = arith.addf %add3A_408, %add3A_409 : vector<1024x128xf32>
      %add3A_412 = arith.addf %add3A_410, %add3A_411 : vector<1024x128xf32>
      %get3A_413 = arith.constant 0 : index
      %get3A_414 = arith.constant 0 : index
      %get3A_415 = vector.load %arg7[%get3A_413, %get3A_414] : memref<1024x128xf32, #tpu.memory_space<vmem>>, vector<1024x128xf32>
      %add3A_416 = arith.addf %add3A_62, %add3A_112 : vector<1024x128xf32>
      %add3A_417 = arith.addf %add3A_162, %add3A_212 : vector<1024x128xf32>
      %add3A_418 = arith.addf %add3A_262, %add3A_312 : vector<1024x128xf32>
      %add3A_419 = arith.addf %add3A_362, %add3A_412 : vector<1024x128xf32>
      %add3A_420 = arith.addf %add3A_416, %add3A_417 : vector<1024x128xf32>
      %add3A_421 = arith.addf %add3A_418, %add3A_419 : vector<1024x128xf32>
      %add3A_422 = arith.addf %add3A_420, %add3A_421 : vector<1024x128xf32>
      %add3A_423 = arith.addf %get3A_415, %add3A_422 : vector<1024x128xf32>
      %swap3A_424 = arith.constant 0 : index
      %swap3A_425 = arith.constant 0 : index
      %swap3A_426 = vector.load %arg7[%swap3A_424, %swap3A_425] : memref<1024x128xf32, #tpu.memory_space<vmem>>, vector<1024x128xf32>
      tpu.vector_store %arg7[%swap3A_424, %swap3A_425], %add3A_423 {strides = array<i32>} : memref<1024x128xf32, #tpu.memory_space<vmem>>, vector<1024x128xf32>,
    } else {
    }
    %eq3A_13 = arith.constant 12 : i32
    %eq3A_14 = arith.cmpi eq, %arg0, %eq3A_13 : i32
    %convert_element_type3A_15 = arith.extui %eq3A_14 : i1 to i32
    %cond3A_16 = arith.constant 0 : i32
    %cond3A_17 = arith.cmpi ne, %convert_element_type3A_15, %cond3A_16 : i32
    scf.if %cond3A_17 {
      %slice3A = vector.extract_strided_slice %get3A_3 {offsets = [0, 0], sizes = [1024, 64], strides = [1, 1]} : vector<8192x64xf32> to vector<1024x64xf32>
      %dot_general3A = arith.constant dense<0.000000e+00> : vector<1024x1024xf32>
      %dot_general3A_18 = tpu.matmul %get3A_8, %slice3A, %dot_general3A {dimension_numbers = #tpu.dot_dimension_numbers<[1], [1], [0], [0], [0, 0, 1, 0], [], []>, transpose_lhs_hint = false} : vector<1024x64xf32>, vector<1024x64xf32>, vector<1024x1024xf32> -> vector<1024x1024xf32>
      %slice3A_19 = vector.extract_strided_slice %dot_general3A_18 {offsets = [0, 0], sizes = [1024, 128], strides = [1, 1]} : vector<1024x1024xf32> to vector<1024x128xf32>
      %sub3A = arith.constant 2.885390e+01 : f32
      %sub3A_20 = vector.broadcast %sub3A : f32 to vector<1024x128xf32>
      %sub3A_21 = arith.subf %slice3A_19, %sub3A_20 : vector<1024x128xf32>
      %exp23A = math.exp2 %sub3A_21 : vector<1024x128xf32>
      %slice3A_22 = vector.extract_strided_slice %dot_general3A_18 {offsets = [0, 128], sizes = [1024, 128], strides = [1, 1]} : vector<1024x1024xf32> to vector<1024x128xf32>
      %sub3A_23 = arith.constant 2.885390e+01 : f32
      %sub3A_24 = vector.broadcast %sub3A_23 : f32 to vector<1024x128xf32>
      %sub3A_25 = arith.subf %slice3A_22, %sub3A_24 : vector<1024x128xf32>
      %exp23A_26 = math.exp2 %sub3A_25 : vector<1024x128xf32>
      %slice3A_27 = vector.extract_strided_slice %dot_general3A_18 {offsets = [0, 256], sizes = [1024, 128], strides = [1, 1]} : vector<1024x1024xf32> to vector<1024x128xf32>
      %sub3A_28 = arith.constant 2.885390e+01 : f32
      %sub3A_29 = vector.broadcast %sub3A_28 : f32 to vector<1024x128xf32>
      %sub3A_30 = arith.subf %slice3A_27, %sub3A_29 : vector<1024x128xf32>
      %exp23A_31 = math.exp2 %sub3A_30 : vector<1024x128xf32>
      %slice3A_32 = vector.extract_strided_slice %dot_general3A_18 {offsets = [0, 384], sizes = [1024, 128], strides = [1, 1]} : vector<1024x1024xf32> to vector<1024x128xf32>
      %sub3A_33 = arith.constant 2.885390e+01 : f32
      %sub3A_34 = vector.broadcast %sub3A_33 : f32 to vector<1024x128xf32>
      %sub3A_35 = arith.subf %slice3A_32, %sub3A_34 : vector<1024x128xf32>
      %exp23A_36 = math.exp2 %sub3A_35 : vector<1024x128xf32>
      %slice3A_37 = vector.extract_strided_slice %dot_general3A_18 {offsets = [0, 512], sizes = [1024, 128], strides = [1, 1]} : vector<1024x1024xf32> to vector<1024x128xf32>
      %sub3A_38 = arith.constant 2.885390e+01 : f32
      %sub3A_39 = vector.broadcast %sub3A_38 : f32 to vector<1024x128xf32>
      %sub3A_40 = arith.subf %slice3A_37, %sub3A_39 : vector<1024x128xf32>
      %exp23A_41 = math.exp2 %sub3A_40 : vector<1024x128xf32>
      %slice3A_42 = vector.extract_strided_slice %dot_general3A_18 {offsets = [0, 640], sizes = [1024, 128], strides = [1, 1]} : vector<1024x1024xf32> to vector<1024x128xf32>
      %sub3A_43 = arith.constant 2.885390e+01 : f32
      %sub3A_44 = vector.broadcast %sub3A_43 : f32 to vector<1024x128xf32>
      %sub3A_45 = arith.subf %slice3A_42, %sub3A_44 : vector<1024x128xf32>
      %exp23A_46 = math.exp2 %sub3A_45 : vector<1024x128xf32>
      %slice3A_47 = vector.extract_strided_slice %dot_general3A_18 {offsets = [0, 768], sizes = [1024, 128], strides = [1, 1]} : vector<1024x1024xf32> to vector<1024x128xf32>
      %sub3A_48 = arith.constant 2.885390e+01 : f32
      %sub3A_49 = vector.broadcast %sub3A_48 : f32 to vector<1024x128xf32>
      %sub3A_50 = arith.subf %slice3A_47, %sub3A_49 : vector<1024x128xf32>
      %exp23A_51 = math.exp2 %sub3A_50 : vector<1024x128xf32>
      %slice3A_52 = vector.extract_strided_slice %dot_general3A_18 {offsets = [0, 896], sizes = [1024, 128], strides = [1, 1]} : vector<1024x1024xf32> to vector<1024x128xf32>
      %sub3A_53 = arith.constant 2.885390e+01 : f32
      %sub3A_54 = vector.broadcast %sub3A_53 : f32 to vector<1024x128xf32>
      %sub3A_55 = arith.subf %slice3A_52, %sub3A_54 : vector<1024x128xf32>
      %exp23A_56 = math.exp2 %sub3A_55 : vector<1024x128xf32>
      %add3A = arith.addf %exp23A, %exp23A_26 : vector<1024x128xf32>
      %add3A_57 = arith.addf %exp23A_31, %exp23A_36 : vector<1024x128xf32>
      %add3A_58 = arith.addf %exp23A_41, %exp23A_46 : vector<1024x128xf32>
      %add3A_59 = arith.addf %exp23A_51, %exp23A_56 : vector<1024x128xf32>
      %add3A_60 = arith.addf %add3A, %add3A_57 : vector<1024x128xf32>
      %add3A_61 = arith.addf %add3A_58, %add3A_59 : vector<1024x128xf32>
      %add3A_62 = arith.addf %add3A_60, %add3A_61 : vector<1024x128xf32>
      %slice3A_63 = vector.extract_strided_slice %get3A_3 {offsets = [1024, 0], sizes = [768, 64], strides = [1, 1]} : vector<8192x64xf32> to vector<768x64xf32>
      %dot_general3A_64 = arith.constant dense<0.000000e+00> : vector<1024x768xf32>
      %dot_general3A_65 = tpu.matmul %get3A_8, %slice3A_63, %dot_general3A_64 {dimension_numbers = #tpu.dot_dimension_numbers<[1], [1], [0], [0], [0, 0, 1, 0], [], []>, transpose_lhs_hint = false} : vector<1024x64xf32>, vector<768x64xf32>, vector<1024x768xf32> -> vector<1024x768xf32>
      %slice3A_66 = vector.extract_strided_slice %dot_general3A_65 {offsets = [0, 0], sizes = [1024, 128], strides = [1, 1]} : vector<1024x768xf32> to vector<1024x128xf32>
      %sub3A_67 = arith.constant 2.885390e+01 : f32
      %sub3A_68 = vector.broadcast %sub3A_67 : f32 to vector<1024x128xf32>
      %sub3A_69 = arith.subf %slice3A_66, %sub3A_68 : vector<1024x128xf32>
      %exp23A_70 = math.exp2 %sub3A_69 : vector<1024x128xf32>
      %slice3A_71 = vector.extract_strided_slice %dot_general3A_65 {offsets = [0, 128], sizes = [1024, 128], strides = [1, 1]} : vector<1024x768xf32> to vector<1024x128xf32>
      %sub3A_72 = arith.constant 2.885390e+01 : f32
      %sub3A_73 = vector.broadcast %sub3A_72 : f32 to vector<1024x128xf32>
      %sub3A_74 = arith.subf %slice3A_71, %sub3A_73 : vector<1024x128xf32>
      %exp23A_75 = math.exp2 %sub3A_74 : vector<1024x128xf32>
      %slice3A_76 = vector.extract_strided_slice %dot_general3A_65 {offsets = [0, 256], sizes = [1024, 128], strides = [1, 1]} : vector<1024x768xf32> to vector<1024x128xf32>
      %sub3A_77 = arith.constant 2.885390e+01 : f32
      %sub3A_78 = vector.broadcast %sub3A_77 : f32 to vector<1024x128xf32>
      %sub3A_79 = arith.subf %slice3A_76, %sub3A_78 : vector<1024x128xf32>
      %exp23A_80 = math.exp2 %sub3A_79 : vector<1024x128xf32>
      %slice3A_81 = vector.extract_strided_slice %dot_general3A_65 {offsets = [0, 384], sizes = [1024, 128], strides = [1, 1]} : vector<1024x768xf32> to vector<1024x128xf32>
      %sub3A_82 = arith.constant 2.885390e+01 : f32
      %sub3A_83 = vector.broadcast %sub3A_82 : f32 to vector<1024x128xf32>
      %sub3A_84 = arith.subf %slice3A_81, %sub3A_83 : vector<1024x128xf32>
      %exp23A_85 = math.exp2 %sub3A_84 : vector<1024x128xf32>
      %slice3A_86 = vector.extract_strided_slice %dot_general3A_65 {offsets = [0, 512], sizes = [1024, 128], strides = [1, 1]} : vector<1024x768xf32> to vector<1024x128xf32>
      %sub3A_87 = arith.constant 2.885390e+01 : f32
      %sub3A_88 = vector.broadcast %sub3A_87 : f32 to vector<1024x128xf32>
      %sub3A_89 = arith.subf %slice3A_86, %sub3A_88 : vector<1024x128xf32>
      %exp23A_90 = math.exp2 %sub3A_89 : vector<1024x128xf32>
      %slice3A_91 = vector.extract_strided_slice %dot_general3A_65 {offsets = [0, 640], sizes = [1024, 128], strides = [1, 1]} : vector<1024x768xf32> to vector<1024x128xf32>
      %sub3A_92 = arith.constant 2.885390e+01 : f32
      %sub3A_93 = vector.broadcast %sub3A_92 : f32 to vector<1024x128xf32>
      %sub3A_94 = arith.subf %slice3A_91, %sub3A_93 : vector<1024x128xf32>
      %exp23A_95 = math.exp2 %sub3A_94 : vector<1024x128xf32>
      %iota3A = tpu.iota {dimensions = array<i32: 1>} : vector<1024x128xi32>
      %add3A_96 = arith.constant 1664 : i32
      %add3A_97 = vector.broadcast %add3A_96 : i32 to vector<1024x128xi32>
      %add3A_98 = arith.addi %iota3A, %add3A_97 : vector<1024x128xi32>
      %lt3A_99 = arith.constant 1696 : i32
      %lt3A_100 = vector.broadcast %lt3A_99 : i32 to vector<1024x128xi32>
      %lt3A_101 = arith.cmpi slt, %add3A_98, %lt3A_100 : vector<1024x128xi32>
      %jit3A = arith.constant 0.000000e+00 : f32
      %broadcast_in_dim3A = vector.broadcast %jit3A : f32 to vector<1024x128xf32>
      %select_n3A = arith.select %lt3A_101, %exp23A_95, %broadcast_in_dim3A : vector<1024x128xi1>, vector<1024x128xf32>
      %add3A_102 = arith.addf %exp23A_70, %exp23A_75 : vector<1024x128xf32>
      %add3A_103 = arith.addf %exp23A_80, %exp23A_85 : vector<1024x128xf32>
      %add3A_104 = arith.addf %exp23A_90, %select_n3A : vector<1024x128xf32>
      %add3A_105 = arith.addf %add3A_102, %add3A_103 : vector<1024x128xf32>
      %add3A_106 = arith.addf %add3A_105, %add3A_104 : vector<1024x128xf32>
      %get3A_107 = arith.constant 0 : index
      %get3A_108 = arith.constant 0 : index
      %get3A_109 = vector.load %arg7[%get3A_107, %get3A_108] : memref<1024x128xf32, #tpu.memory_space<vmem>>, vector<1024x128xf32>
      %add3A_110 = arith.addf %add3A_62, %add3A_106 : vector<1024x128xf32>
      %add3A_111 = arith.addf %get3A_109, %add3A_110 : vector<1024x128xf32>
      %swap3A_112 = arith.constant 0 : index
      %swap3A_113 = arith.constant 0 : index
      %swap3A_114 = vector.load %arg7[%swap3A_112, %swap3A_113] : memref<1024x128xf32, #tpu.memory_space<vmem>>, vector<1024x128xf32>
      tpu.vector_store %arg7[%swap3A_112, %swap3A_113], %add3A_111 {strides = array<i32>} : memref<1024x128xf32, #tpu.memory_space<vmem>>, vector<1024x128xf32>,
      %get3A_115 = arith.constant 0 : index
      %get3A_116 = arith.constant 0 : index
      %get3A_117 = vector.load %arg7[%get3A_115, %get3A_116] : memref<1024x128xf32, #tpu.memory_space<vmem>>, vector<1024x128xf32>
      %swap3A_118 = arith.constant 0 : index
      %swap3A_119 = arith.constant 0 : index
      %swap3A_120 = vector.load %arg4[%swap3A_118, %swap3A_119] : memref<1024x128xf32, #tpu.memory_space<vmem>>, vector<1024x128xf32>
      tpu.vector_store %arg4[%swap3A_118, %swap3A_119], %get3A_117 {strides = array<i32>} : memref<1024x128xf32, #tpu.memory_space<vmem>>, vector<1024x128xf32>,
      %get3A_121 = arith.constant 0 : index
      %get3A_122 = arith.constant 0 : index
      %get3A_123 = vector.load %arg6[%get3A_121, %get3A_122] : memref<1024x64xf32, #tpu.memory_space<vmem>>, vector<1024x64xf32>
      %swap3A_124 = arith.constant 0 : index
      %swap3A_125 = arith.constant 0 : index
      %swap3A_126 = vector.load %arg5[%swap3A_124, %swap3A_125] : memref<1024x64xf32, #tpu.memory_space<vmem>>, vector<1024x64xf32>
      tpu.vector_store %arg5[%swap3A_124, %swap3A_125], %get3A_123 {strides = array<i32>} : memref<1024x64xf32, #tpu.memory_space<vmem>>, vector<1024x64xf32>,
    } else {
    }
    return
  }
  func.func @transform_0(%arg0: i32) -> (i32, i32) {
    %c0_i32 = arith.constant 0 : i32
    %c0_i32_0 = arith.constant 0 : i32
    %c0_i32_1 = arith.constant 0 : i32
    return %c0_i32, %c0_i32_0 : i32, i32
  }
  func.func @transform_1(%arg0: i32) -> (i32, i32) {
    %c0_i32 = arith.constant 0 : i32
    %c0_i32_0 = arith.constant 0 : i32
    return %arg0, %c0_i32 : i32, i32
  }
  func.func @transform_2(%arg0: i32) -> (i32, i32) {
    %c0_i32 = arith.constant 0 : i32
    %c0_i32_0 = arith.constant 0 : i32
    return %arg0, %c0_i32 : i32, i32
  }
  func.func @transform_3(%arg0: i32) -> (i32, i32) {
    %c0_i32 = arith.constant 0 : i32
    %c0_i32_0 = arith.constant 0 : i32
    %c0_i32_1 = arith.constant 0 : i32
    return %c0_i32, %c0_i32_0 : i32, i32
  }
  func.func @transform_4(%arg0: i32) -> (i32, i32) {
    %c0_i32 = arith.constant 0 : i32
    %c0_i32_0 = arith.constant 0 : i32
    %c0_i32_1 = arith.constant 0 : i32
    return %c0_i32, %c0_i32_0 : i32, i32
  }
}

module attributes {stable_mosaic.version = 14 : i64} {
  func.func @_epilogue_body(%arg0: memref<1024x128xf32, #tpu.memory_space<vmem>>, %arg1: memref<1024x64xf32, #tpu.memory_space<vmem>>, %arg2: memref<1024x128xf32, #tpu.memory_space<vmem>>, %arg3: memref<1x1xf32, #tpu.memory_space<smem>>) attributes {dimension_semantics = [], scalar_prefetch = 0 : i64, scratch_operands = 0 : i64, tpu.core_type = #tpu.core_type<tc>} {
    %get3A = arith.constant 0 : index
    %get3A_0 = arith.constant 0 : index
    %get3A_1 = vector.load %arg0[%get3A, %get3A_0] : memref<1024x128xf32, #tpu.memory_space<vmem>>, vector<1024x128xf32>
    %reduce_sum3A = arith.constant dense<0.000000e+00> : vector<1024xf32>
    %reduce_sum3A_2 = vector.multi_reduction <add>, %get3A_1, %reduce_sum3A [1] : vector<1024x128xf32> to vector<1024xf32>
    %broadcast_in_dim3A = vector.shape_cast %reduce_sum3A_2 : vector<1024xf32> to vector<1024x1xf32>
    %log3A = math.log %broadcast_in_dim3A : vector<1024x1xf32>
    %add3A = arith.constant 2.000000e+01 : f32
    %add3A_3 = vector.broadcast %add3A : f32 to vector<1024x1xf32>
    %add3A_4 = arith.addf %log3A, %add3A_3 : vector<1024x1xf32>
    %get3A_5 = arith.constant 0 : index
    %get3A_6 = arith.constant 0 : index
    %get3A_7 = vector.load %arg1[%get3A_5, %get3A_6] : memref<1024x64xf32, #tpu.memory_space<vmem>>, vector<1024x64xf32>
    %get3A_8 = arith.constant 0 : index
    %get3A_9 = arith.constant 0 : index
    %get3A_10 = vector.load %arg2[%get3A_8, %get3A_9] : memref<1024x128xf32, #tpu.memory_space<vmem>>, vector<1024x64xf32>
    %mul3A = arith.mulf %get3A_7, %get3A_10 : vector<1024x64xf32>
    %reduce_sum3A_11 = arith.constant dense<0.000000e+00> : vector<1024xf32>
    %reduce_sum3A_12 = vector.multi_reduction <add>, %mul3A, %reduce_sum3A_11 [1] : vector<1024x64xf32> to vector<1024xf32>
    %broadcast_in_dim3A_13 = vector.shape_cast %reduce_sum3A_12 : vector<1024xf32> to vector<1024x1xf32>
    %mul3A_14 = arith.constant 0.693147182 : f32
    %mul3A_15 = vector.broadcast %mul3A_14 : f32 to vector<1024x1xf32>
    %mul3A_16 = arith.mulf %broadcast_in_dim3A_13, %mul3A_15 : vector<1024x1xf32>
    %sub3A = arith.subf %add3A_4, %mul3A_16 : vector<1024x1xf32>
    %reduce_sum3A_17 = vector.shape_cast %sub3A : vector<1024x1xf32> to vector<1x1024x1xf32>
    %reduce_sum3A_18 = arith.constant dense<0.000000e+00> : vector<1xf32>
    %reduce_sum3A_19 = vector.multi_reduction <add>, %reduce_sum3A_17, %reduce_sum3A_18 [1, 2] : vector<1x1024x1xf32> to vector<1xf32>
    %reduce_sum3A_20 = vector.shape_cast %reduce_sum3A_19 : vector<1xf32> to vector<1x1x1xf32>
    %reduce_sum3A_21 = vector.extract %reduce_sum3A_20[0, 0, 0] : f32 from vector<1x1x1xf32>
    %mul3A_22 = arith.constant 9.765625E-4 : f32
    %mul3A_23 = arith.mulf %reduce_sum3A_21, %mul3A_22 : f32
    %swap3A = arith.constant 0 : index
    %swap3A_24 = arith.constant 0 : index
    %swap3A_25 = memref.load %arg3[%swap3A, %swap3A_24] : memref<1x1xf32, #tpu.memory_space<smem>>
    memref.store %mul3A_23, %arg3[%swap3A, %swap3A_24] : memref<1x1xf32, #tpu.memory_space<smem>>
    return
  }
}

</mosaic_0001>

<sc_bundles>
// kernel: kernel.5.cloned.1.call-start
scs
__scs_entry_jumppad:
0x0: {  	(pc) =	sbr.rel $0x88, $3  }
0x1: {  	(tag) =	ssettag $0x0;
	lr =	simm.s32 $0x1  }
0x2: {  	[smem:$0x3F9E] =	sst lr;
	_ =	strace $0xD0000000  }
0x3: {  	_ = 	snop  }
0x4: {  	_ = 	snop  }
0x5: {  	_ = 	snop  }
0x6: {  	_ = 	snop  }
0x7: {  	_ = 	snop  }
__scs_overlays_trampoline_lowered:
0x8: {  	[smem:$0x3FAD] =	sst s0  }
0x9: {  	[smem:$0x3FAE] =	sst s1  }
0xa: {  	[smem:$0x3FAF] =	sst s2  }
0xb: {  	[smem:$0x3FB0] =	sst s3  }
0xc: {  	[smem:$0x3FB1] =	sst s4  }
0xd: {  	[smem:$0x3FB2] =	sst s5  }
0xe: {  	[smem:$0x3FB3] =	sst s6  }
0xf: {  	[smem:$0x3FB4] =	sst s7  }
0x10: {  	[smem:$0x3FB5] =	sst s8  }
0x11: {  	[smem:$0x3FB6] =	sst s9;
	s0 =	simm.s32 @!p0 $0x0  }
0x12: {  	s1 =	sld [smem:$0x3F9C];
	s0 =	simm.s32 @p0 $0x1  }
0x13: {  	[smem:$0x3FB7] =	sst s0;
	s0 =	simm.s32 @!p1 $0x0  }
0x14: {  	s2 =	sld [smem:$0x3F9B];
	s0 =	simm.s32 @p1 $0x1  }
0x15: {  	[smem:$0x3FB8] =	sst s0;
	s0 =	simm.s32 @!p2 $0x0  }
0x16: {  	s3 =	sld [smem:$0x3FDB];
	s0 =	simm.s32 @p2 $0x1  }
0x17: {  	s4 =	simm.s32 $0x1BF5;
	[smem:$0x3FBA] =	sst s0  }
0x18: {  	s0 =	sld [smem:$0x3F9D];
	_ =	swait.ge [sflag:s4], $0x0  }
0x19: {  	s7 =	sld [smem:$0x3F9E]  }
0x1a: {  	s8 =	sadd.s32 $0xFFFFE003, lr  }
0x1b: {  	s9 =	sadd.s32 $0xFFFFFEF7, lr;
	s5 =	simm.s32 $0xFFFFFFFF;
	p2 =	slt.u32 s8, $0xFFFFF086  }
0x1c: {  	p1 =	slt.u32 s9, $0xF7A;
	s5 =	simm.s32 @!p2 $0x0  }
0x1d: {  	s5 =	simm.s32 @p1 $0x1;
	p0 =	seq.s32 s7, s2  }
0x1e: {  	s7 =	smul.u32 @!p0 $0xF7A, s2;
	p2 =	seq.s32 @!p0 s5, $0x0  }
0x1f: {  	s9 =	smul.u32 $0xF7A, s1;
	s8 =	simm.s32 @!p0 $0x1BF5;
	p2 =	por !p2, p0  }
0x20: {  	[sflag:s8] =	ssyncset.s32 @!p0 $0xFFFFF086;
	s6 =	sadd.s32 @!p0 s3, s7;
	s7 =	simm.s32 @!p0 $0x108  }
0x21: {  	s3 =	sadd.s32 s3, s9;
	s6 =	sadd.s32 @!p0 $0x88, s6;
	s7 =	simm.s32 @p2 $0x1082  }
0x22: {  	[simem:s7], [sflag:s8] =	dma.local @!p0 [hbm:s6], $0xF7A  }
0x23: {  	s9 =	sor.u32 $0xD0000000, s2;
	s6 =	simm.s32 $0x108;
	_ =	swait.ge @!p0 [sflag:s8], $0x0  }
0x24: {  	s3 =	sadd.s32 $0x88, s3;
	s6 =	simm.s32 @!p1 $0x1082;
	[sflag:s4] =	ssyncset.s32 $0xFFFFF086  }
0x25: {  	[simem:s6], [sflag:s4] =	dma.local [hbm:s3], $0xF7A  }
0x26: {  	[smem:$0x3F9E] =	sst s1;
	(tag) =	ssettag s2;
	_ =	strace s9  }
0x27: {  	s1 =	sld [smem:$0x3FAE]  }
0x28: {  	s2 =	sld [smem:$0x3FAF]  }
0x29: {  	s4 =	sld [smem:$0x3FB1]  }
0x2a: {  	p0 =	seq.s32 s5, $0x0;
	s5 =	sld [smem:$0x3FB2]  }
0x2b: {  	s6 =	sld [smem:$0x3FB3]  }
0x2c: {  	s7 =	sld [smem:$0x3FB4]  }
0x2d: {  	s3 =	simm.s32 $0x108;
	s8 =	sld [smem:$0x3FB5]  }
0x2e: {  	s3 =	simm.s32 @!p0 $0x1082;
	s9 =	sld [smem:$0x3FB6]  }
0x2f: {  	lr =	sadd.s32 s0, s3;
	s0 =	sld [smem:$0x3FAD]  }
0x30: {  	s3 =	sld [smem:$0x3FB0]  }
0x31: {  	[smem:$0x3FB9] =	sst s10  }
0x32: {  	s10 =	sld [smem:$0x3FB7];
	_ =	sdelay $0x3  }
0x33: {  	p0 =	seq.s32 s10, $0x1;
	s10 =	sld [smem:$0x3FB9];
	_ =	sdelay $0x3  }
0x34: {  	[smem:$0x3FB9] =	sst s10  }
0x35: {  	s10 =	sld [smem:$0x3FB8];
	_ =	sdelay $0x3  }
0x36: {  	p1 =	seq.s32 s10, $0x1;
	s10 =	sld [smem:$0x3FB9];
	_ =	sdelay $0x3  }
0x37: {  	[smem:$0x3FB9] =	sst s10  }
0x38: {  	s10 =	sld [smem:$0x3FBA]  }
0x39: {  	_ = 	snop;
	(pc) =	sbr.ind lr, $3  }
0x3a: {  	_ = 	snop  }
0x3b: {  	_ = 	snop  }
0x3c: {  	p2 =	seq.s32 s10, $0x1;
	s10 =	sld [smem:$0x3FB9]  }
0x3d: {  	_ =	shalt  }
0x3e: {  	_ =	shalt  }
0x3f: {  	_ =	shalt  }
0x40: {  	_ =	shalt  }
0x41: {  	_ =	shalt  }
0x42: {  	_ =	shalt  }
0x43: {  	_ =	shalt  }
0x44: {  	_ =	shalt  }
0x45: {  	_ =	shalt  }
0x46: {  	_ =	shalt  }
0x47: {  	_ =	shalt  }
0x48: {  	_ =	shalt  }
0x49: {  	_ =	shalt  }
0x4a: {  	_ =	shalt  }
0x4b: {  	_ =	shalt  }
0x4c: {  	_ =	shalt  }
0x4d: {  	_ =	shalt  }
0x4e: {  	_ =	shalt  }
0x4f: {  	_ =	shalt  }
0x50: {  	_ =	shalt  }
0x51: {  	_ =	shalt  }
0x52: {  	_ =	shalt  }
0x53: {  	_ =	shalt  }
0x54: {  	_ =	shalt  }
0x55: {  	_ =	shalt  }
0x56: {  	_ =	shalt  }
0x57: {  	_ =	shalt  }
0x58: {  	_ =	shalt  }
0x59: {  	_ =	shalt  }
0x5a: {  	_ =	shalt  }
0x5b: {  	_ =	shalt  }
0x5c: {  	_ =	shalt  }
0x5d: {  	_ =	shalt  }
0x5e: {  	_ =	shalt  }
0x5f: {  	_ =	shalt  }
0x60: {  	_ =	shalt  }
0x61: {  	_ =	shalt  }
0x62: {  	_ =	shalt  }
0x63: {  	_ =	shalt  }
0x64: {  	_ =	shalt  }
0x65: {  	_ =	shalt  }
0x66: {  	_ =	shalt  }
0x67: {  	_ =	shalt  }
0x68: {  	_ =	shalt  }
0x69: {  	_ =	shalt  }
0x6a: {  	_ =	shalt  }
0x6b: {  	_ =	shalt  }
0x6c: {  	_ =	shalt  }
0x6d: {  	_ =	shalt  }
0x6e: {  	_ =	shalt  }
0x6f: {  	_ =	shalt  }
0x70: {  	_ =	shalt  }
0x71: {  	_ =	shalt  }
0x72: {  	_ =	shalt  }
0x73: {  	_ =	shalt  }
0x74: {  	_ =	shalt  }
0x75: {  	_ =	shalt  }
0x76: {  	_ =	shalt  }
0x77: {  	_ =	shalt  }
0x78: {  	_ =	shalt  }
0x79: {  	_ =	shalt  }
0x7a: {  	_ =	shalt  }
0x7b: {  	_ =	shalt  }
0x7c: {  	_ =	shalt  }
0x7d: {  	_ =	shalt  }
0x7e: {  	_ =	shalt  }
0x7f: {  	_ =	shalt  }
0x80: {  	_ =	shalt  }
0x81: {  	_ =	shalt  }
0x82: {  	_ =	shalt  }
0x83: {  	_ =	shalt  }
0x84: {  	_ =	shalt  }
0x85: {  	_ =	shalt  }
0x86: {  	_ =	shalt  }
0x87: {  	_ =	shalt  }
.Lfunc_end0:
.L_simem_size_0:
called_computation_lowered:
.L_overlay_start_0:
0x88: {  	s2 =	sld [smem:$0x3FD9]  }
0x89: {  	s3 =	sld [smem:$0x3FFE];
	_ =	sdelay $0x1  }
0x8a: {  	s1 =	srdreg.scid  }
0x8b: {  	s0 =	sand.u32 $0x1, s1  }
0x8c: {  	s17 =	sshll.u32 s0, $0xA;
	s2 =	sadd.s32 s3, s2  }
0x8d: {  	s2 =	sadd.s32 s2, s17  }
0x8e: {  	[smem:$0x3FC5] =	sst s2  }
0x8f: {  	_ = 	snop  }
0x90: {  	s2 =	sld [smem:$0x3FC8];
	(tm) =	ssettm $0x1  }
0x91: {  	s18 =	sld [smem:$0x3FFB];
	_ =	sdelay $0x3  }
0x92: {  	_ =	strace s18  }
0x93: {  	s3 =	sld [smem:$0x3FFC];
	_ =	sdelay $0x3  }
0x94: {  	_ =	strace s3  }
0x95: {  	s3 =	sld [smem:$0x3FFD];
	_ =	sdelay $0x3  }
0x96: {  	_ =	strace s3  }
0x97: {  	_ =	strace $0x8FFFFFFF  }
0x98: {  	s19 =	sld [smem:$0x3FDB];
	_ =	sdelay $0x1  }
0x99: {  	s4 =	simm.s32 $_scs_section_size  }
0x9a: {  	s5 =	simm.s32 $_size__tile_overlayer_lowered;
	s6 =	simm.s32 $_tile_overlayer_lowered  }
0x9b: {  	s22 =	simm.s32 $0x1BFF;
	s21 =	sshll.u32 s6, $0x1;
	s3 =	sadd.s32 s4, s19  }
0x9c: {  	s7 =	simm.s32 $0x0;
	s20 =	sshll.u32 s5, $0x1;
	s5 =	sadd.s32 s21, s3  }
0x9d: {  	[timem:s7], [sflag:s22] =	dma.local [hbm:s5], s20  }
0x9e: {  	_ =	swait.ge [sflag:s22], s20  }
0x9f: {  	s4 =	ssub.s32 $0x0, s20;
	[sflag:s22] =	ssyncset.done $0x0  }
0xa0: {  	[sflag:s22] =	ssyncadd.s32 s4;
	_ =	sdelay $0x1  }
0xa1: {  	s23 =	simm.s32 $0x1B8B  }
0xa2: {  	_ =	swait.ge [sflag:s23], $0x1  }
0xa3: {  	[sflag:s23] =	ssyncset.done $0x0  }
0xa4: {  	s25 =	simm.s32 $0x1B8E;
	s24 =	sld [smem:$0x3FFE];
	[sflag:s23] =	ssyncadd.s32 $0xFFFFFFFF  }
0xa5: {  	s26 =	simm.s32 $execute0_lowered;
	[smem:$0x3FD2] =	sst s25  }
0xa6: {  	s5 =	sshll.u32 s26, $0x1;
	_ =	strace $0x80000046;
	[dreg:$0x1] =	wrdreg $0xFFFFFFFF  }
0xa7: {  	s28 =	simm.s32 $_size_execute0_lowered;
	s3 =	sadd.s32 s3, s5;
	[dreg:$0x0] =	wrdreg $0x0  }
0xa8: {  	s5 =	sshll.u32 s28, $0x1;
	[dreg:$0x2] =	wrdreg s3  }
0xa9: {  	[dreg:$0x3] =	wrdreg s5  }
0xaa: {  	[dreg:$0x4] =	wrdreg $0xC0  }
0xab: {  	_ =	task [dreg:s7], $0x5FFFF  }
0xac: {  	[dreg:$0x1] =	wrdreg $0xFFFFFFFF  }
0xad: {  	[dreg:$0x0] =	wrdreg $0x60  }
0xae: {  	[dreg:$0x2] =	wrdreg s24  }
0xaf: {  	[dreg:$0x3] =	wrdreg s2  }
0xb0: {  	[dreg:$0x4] =	wrdreg $0x9  }
0xb1: {  	_ =	task.clear_ibuf [dreg:s7], $0x5FFFF;
	_ =	strace $0x90000046  }
0xb2: {  	s29 =	simm.s32 $0x9;
	_ =	strace $0x80000048  }
0xb3: {  	_ =	swait.ge [sflag:s29], $0x1  }
0xb4: {  	[sflag:s29] =	ssyncadd.s32 $0xFFFFFFFF  }
0xb5: {  	_ =	strace $0x90000048  }
0xb6: {  	_ =	sfence  }
0xb7: {  	s30 =	sld [smem:$0x0];
	_ =	sdelay $0x2  }
0xb8: {  	s31 =	sshll.u32 s1, $0xD;
	s1 =	sshrl.u32 s1, $0x2  }
0xb9: {  	s3 =	sand.u32 $0x4000, s31;
	s1 =	sadd.s32 s1, s30  }
0xba: {  	s0 =	sor.u32 s3, s0;
	s1 =	sshll.u32 s1, $0x11  }
0xbb: {  	s0 =	sor.u32 s1, s0  }
0xbc: {  	s0 =	sadd.s32 $0x8F2B, s0  }
0xbd: {  	[sflag:s0] =	ssyncadd.remote.s32 $0x1  }
0xbe: {  	_ =	sfence.sel $0xFFFF  }
0xbf: {  	[dreg:$0x0] =	wrdreg $0xFFFFFFFF;
	(pc) =	sbr.abs _section_cstart, $3  }
0xc0: {  	[dreg:$0x1] =	wrdreg $0xFFFFFFFF  }
0xc1: {  	_ =	task.clear_ibuf [dreg:s7], $0x2FFFF;
	_ =	strace $0x9FFFFFFF  }
0xc2: {  	(tm) =	ssettm $0x7FFFFFFF  }
0xc3: {  	_ =	shalt  }
tec
execute0_lowered:
.L_overlay_start_1:
0x0: {  	(tag) =	ssettag $0x1  }
0x1: {  	s1 =	srdreg.scid;
	s9 =	rddreg [dreg:$0x0]  }
0x2: {  	s0 =	stileid.u32;
	s3 =	rddreg [dreg:$0x1]  }
0x3: {  	s2 =	simm.s32 $0x0;
	s7 =	simm.s32 $0x80;
	s6 =	sand.u32 $0x1, s1  }
0x4: {  	s4 =	sshll.u32 s0, $0x6;
	s1 =	rddreg [dreg:$0x2];
	s5 =	sshll.u32 s6, $0x5  }
0x5: {  	s8 =	simm.s32 $0x1;
	[smem:$0x7FF] =	sst s2;
	s10 =	sor.u32 s5, s4  }
0x6: {  	_ =	strace $0x80000047;
	s11 =	ssub.s32 $0x2, s6;
	s4 =	sshrl.u32 s10, $0x3  }
0x7: {  	s6 =	simm.s32 $0x20;
	s4 =	sadd.s32 s3, s4;
	s3 =	simm.s32 $0x2  }
0x8: {  	[tilespmem:s2], [sflag:$0x2] =	stream.linear.gather [hbm4b:s4+s2], $0x20, $0x38;
	[tilespmem:$0x1080] =	vst v63  }
0x9: {  	s5 =	sadd.s32 $0x187200, s9;
	s12 =	sshrl.u32 s11, $0x1;
	_ =	swait.ge [sflag:s3], $0x20  }
0xa: {  	s10 =	sshll.u32 s10, $0x4;
	s31 =	ssub.s32 s11, s12;
	[sflag:s3] =	ssyncset.done $0x0  }
0xb: {  	s9 =	sadd.s32 s10, s9;
	s10 =	smax.u32 s31, $0x1;
	[sflag:s3] =	ssyncadd.s32 $0xFFFFFFE0  }
0xc: {  	[tilespmem:s7], [sflag:$0x1] =	stream.indirect.gather [hbm4b:s5+s6], $0x80, s2, s6, $0xb8;
	[tilespmem:$0x1080] =	vst v63  }
0xd: {  	p0 =	sne.s32 s10, $0x1;
	_ =	swait.ge [sflag:s8], $0x1000  }
.Ltmp0:
0xe: {  	[sflag:s8] =	ssyncset.done $0x0;
	(pc) =	sbr.rel @!p0 .LBB2_2-.Ltmp0, $4  }
0xf: {  	s9 =	sadd.s32 $0x800, s9;
	[sflag:s8] =	ssyncadd.s32 $0xFFFFF000  }
0x10: {  	[hbm4b:s9+s2] =	stream.linear.scatter [tilespmem:s7], [sflag:$0x2], $0x1000, $0x38;
	[tilespmem:$0x1080] =	vst v63  }
0x11: {  	_ =	swait.ge [sflag:s3], $0x1000  }
0x12: {  	s10 =	sadd.s32 $0xFFFFFFFF, s10;
	[sflag:s3] =	ssyncset.done $0x0  }
.LBB2_1:
0x13: {  	p0 =	sne.s32 s10, $0x1;
	s10 =	sadd.s32 $0xFFFFFFFF, s10;
	[sflag:s3] =	ssyncadd.s32 $0xFFFFF000  }
0x14: {  	[tilespmem:s2], [sflag:$0x2] =	stream.linear.gather [hbm4b:s4+s2], $0x20, $0x38;
	[tilespmem:$0x1080] =	vst v63  }
0x15: {  	_ =	swait.ge [sflag:s3], $0x20  }
0x16: {  	[sflag:s3] =	ssyncset.done $0x0  }
0x17: {  	[sflag:s3] =	ssyncadd.s32 $0xFFFFFFE0  }
0x18: {  	[tilespmem:s7], [sflag:$0x1] =	stream.indirect.gather [hbm4b:s5+s6], $0x80, s2, s6, $0xb8;
	[tilespmem:$0x1080] =	vst v63  }
0x19: {  	_ =	swait.ge [sflag:s8], $0x1000  }
.Ltmp1:
0x1a: {  	[sflag:s8] =	ssyncset.done $0x0;
	(pc) =	sbr.rel @p0 .LBB2_1-.Ltmp1, $4  }
0x1b: {  	[sflag:s8] =	ssyncadd.s32 $0xFFFFF000  }
0x1c: {  	[hbm4b:s9+s2] =	stream.linear.scatter [tilespmem:s7], [sflag:$0x2], $0x1000, $0x38;
	[tilespmem:$0x1080] =	vst v63  }
0x1d: {  	_ =	swait.ge [sflag:s3], $0x1000  }
0x1e: {  	[sflag:s3] =	ssyncset.done $0x0  }
.LBB2_2:
0x1f: {  	[sflag:s3] =	ssyncadd.s32 $0xFFFFF000  }
0x20: {  	_ =	sfence.sel $0x180000  }
0x21: {  	[bflag:$0x0] =	sbarrier.arrive $0xFFFF  }
0x22: {  	p0 =	sne.s32 s0, $0x0;
	_ =	strace $0x90000047  }
0x23: {  	s0 =	sadd.s32 @!p0 $0x100000, s1;
	[bflag:$0x2] =	sbarrier.arrive $0xFFFF  }
0x24: {  	[sflag:s0] =	ssyncadd.tile.s32 @!p0 $0x1;
	_ =	shalt  }
.Lfunc_end2:
_tile_overlayer_lowered:
.L_overlay_start_2:
0x25: {  	(tag) =	ssettag $0x2  }
0x26: {  	s0 =	rddreg [dreg:$0x0];
	s2 =	stileid.u32  }
0x27: {  	s1 =	rddreg [dreg:$0x1];
	p0 =	sne.s32 s2, $0x0  }
0x28: {  	s3 =	rddreg [dreg:$0x2];
	[bflag:$0x3] =	sbarrier.arrive $0xFFFF;
	s2 =	simm.s32 @!p0 $0x1C02  }
0x29: {  	[timem:s3], [sflag:s2] =	dma.local @!p0 [hbm:s0], s1  }
0x2a: {  	s0 =	simm.s32 @!p0 $0x2  }
0x2b: {  	_ =	swait.ge @!p0 [sflag:s0], s1  }
0x2c: {  	s1 =	ssub.s32 @!p0 $0x0, s1;
	[sflag:s0] =	ssyncset.done @!p0 $0x0  }
0x2d: {  	[sflag:s0] =	ssyncadd.s32 @!p0 s1  }
0x2e: {  	[bflag:$0x3] =	sbarrier.arrive $0xFFFF  }
0x2f: {  	_ =	shalt  }

</sc_bundles>
